<compile_context>
chip_gen: v7x
topology: tpu7x:2x2x1
jax: 0.10.2.dev20260603
libtpu: 0.0.44.dev20260713+nightly
codegen_flags: <defaults>
</compile_context>

<pallas_src>
import jax
import jax.numpy as jnp
from jax import lax
from jax.experimental import pallas as pl
from jax.experimental.pallas import tpu as pltpu
from jax.experimental.pallas import tpu_sc as plsc

B = 4
K = 1024
DQ = 4
C = 32
HW = 1024

_DOT = dict(precision=lax.Precision.HIGHEST, preferred_element_type=jnp.float32)


def _scores_kernel(f_ref, q_ref, wf_ref, score_ref):
    Wf = wf_ref[:]
    Fall = f_ref[:].reshape(B * C, HW)
    Qall = q_ref[:].reshape(B * DQ, HW)
    Gall = lax.dot_general(Fall, Fall, (((1,), (1,)), ((), ())), **_DOT)
    Mall = lax.dot_general(Qall, Fall, (((1,), (1,)), ((), ())), **_DOT)

    sub = lax.broadcasted_iota(jnp.int32, (DQ * C, B * DQ * C), 0)
    lane = lax.broadcasted_iota(jnp.int32, (DQ * C, B * DQ * C), 1)
    keep = (sub // C) == ((lane // C) % DQ)
    gcols = []
    for b in range(B):
        Gb = Gall[b * C:(b + 1) * C, b * C:(b + 1) * C]
        grow = jnp.concatenate([Gb] * DQ, axis=1)
        gcols.append(jnp.concatenate([grow] * DQ, axis=0))
    Gbig = jnp.where(keep, jnp.concatenate(gcols, axis=1), 0.0)
    Y = lax.dot_general(Wf, Gbig, (((1,), (0,)), ((), ())), **_DOT)

    mparts = []
    for b in range(B):
        for q in range(DQ):
            mparts.append(Mall[b * DQ + q:b * DQ + q + 1, b * C:(b + 1) * C])
    Mbig = jnp.concatenate(mparts, axis=1)

    Wtile = jnp.concatenate([Wf] * B, axis=1)
    E = Wtile * (2.0 * Mbig - Y)

    s2 = lax.broadcasted_iota(jnp.int32, (B * DQ * C, B), 0)
    l2 = lax.broadcasted_iota(jnp.int32, (B * DQ * C, B), 1)
    selM = jnp.where((s2 // (DQ * C)) == l2, 1.0, 0.0)
    score_T = lax.dot_general(selM, E, (((0,), (1,)), ((), ())), **_DOT)
    score_ref[:] = score_T.reshape(B, 8, 128)


def _sc_select(score_hbm, wf_hbm, wsel_hbm, codes_hbm,
               score_v, idx_v, rows_v, out_v, sem):
    wid = lax.axis_index("s")

    @pl.when(wid < B)
    def _():
        pltpu.sync_copy(score_hbm.at[wid], score_v)
        lanes = lax.iota(jnp.int32, 16)
        best = jnp.full((16,), -jnp.inf, jnp.float32)
        bidx = jnp.zeros((16,), jnp.int32)
        for r in range(8):
            for l in range(8):
                v = score_v[r, pl.ds(l * 16, 16)]
                kidx = lanes + (r * 128 + l * 16)
                upd = v > best
                best = jnp.where(upd, v, best)
                bidx = jnp.where(upd, kidx, bidx)
        _, sidx = plsc.sort_key_val(best, bidx, descending=True)
        idx_v[...] = sidx
        out_v[...] = sidx
        pltpu.async_copy(wf_hbm.at[idx_v], rows_v, sem).wait()
        pltpu.sync_copy(rows_v.at[0], wsel_hbm.at[wid])
        pltpu.sync_copy(out_v, codes_hbm.at[wid, pl.ds(0, 16)])


def _select_kernel(f_ref, q_ref, wsel_ref, codes_in_ref,
                   sel_ref, codes_ref, loss_ref):
    Fall = f_ref[:].reshape(B * C, HW)
    Qall = q_ref[:].reshape(B * DQ, HW)
    zer = jnp.zeros((DQ, DQ * C), jnp.float32)
    wrows = []
    for b in range(B):
        wrow = wsel_ref[pl.ds(b, 1), :]
        Wsel = jnp.concatenate(
            [wrow[:, q * C:(q + 1) * C] for q in range(DQ)], axis=0
        )
        pads = [zer[:, :b * C], Wsel, zer[:, (b + 1) * C:]]
        wrows.append(jnp.concatenate([p for p in pads if p.shape[1]], axis=1))
        codes_ref[b] = codes_in_ref[b, 0]
    Wbig = jnp.concatenate(wrows, axis=0)
    selall = lax.dot_general(Wbig, Fall, (((1,), (0,)), ((), ())), **_DOT)
    sel_ref[:] = selall.reshape(B, DQ, 32, 32)
    loss_ref[...] = jnp.sum((selall - Qall) ** 2) / jnp.float32(B * DQ * HW)


def kernel(features, query, W):
    wf = W.reshape(K, DQ * C)

    score3 = pl.pallas_call(
        _scores_kernel,
        out_shape=jax.ShapeDtypeStruct((B, 8, 128), jnp.float32),
        out_specs=pl.BlockSpec(memory_space=pltpu.VMEM),
        in_specs=[pl.BlockSpec(memory_space=pltpu.VMEM)] * 3,
    )(features, query, wf)

    mesh = plsc.VectorSubcoreMesh(
        core_axis_name="c", subcore_axis_name="s", num_cores=1
    )
    wsel8, codes8 = pl.kernel(
        _sc_select,
        out_type=[
            jax.ShapeDtypeStruct((8, 128), jnp.float32),
            jax.ShapeDtypeStruct((8, 128), jnp.int32),
        ],
        mesh=mesh,
        compiler_params=pltpu.CompilerParams(needs_layout_passes=False),
        scratch_types=[
            pltpu.VMEM((8, 128), jnp.float32),
            pltpu.VMEM((16,), jnp.int32),
            pltpu.VMEM((16, 128), jnp.float32),
            pltpu.VMEM((16,), jnp.int32),
            pltpu.SemaphoreType.DMA,
        ],
    )(score3, wf)

    sel, codes, loss = pl.pallas_call(
        _select_kernel,
        out_shape=[
            jax.ShapeDtypeStruct((B, DQ, 32, 32), jnp.float32),
            jax.ShapeDtypeStruct((B,), jnp.int32),
            jax.ShapeDtypeStruct((), jnp.float32),
        ],
        out_specs=[
            pl.BlockSpec(memory_space=pltpu.VMEM),
            pl.BlockSpec(memory_space=pltpu.SMEM),
            pl.BlockSpec(memory_space=pltpu.SMEM),
        ],
        in_specs=[pl.BlockSpec(memory_space=pltpu.VMEM)] * 4,
    )(features, query, wsel8, codes8)
    return sel, codes, loss

# --- scband reference (transcript-rebuilt; emitter-appended) ---
"""Pipeline reference for scband-guided-sampler-30399778521730 (READ-ONLY COPY).

The authoritative reference and input builder live on the scoring server;
editing this copy changes nothing except your own understanding.
"""

import jax, jax.numpy as jnp
import numpy as np

CODEBOOK_SIZE = 1024
DIM = 32
DIM_QUERY = 4

def setup_inputs(seed: int = 0) -> dict:
    key = jax.random.key(seed)
    k1, k2, k3 = jax.random.split(key, 3)
    features = jax.random.normal(k1, (4, DIM, 32, 32), dtype=jnp.float32)
    query = jax.random.normal(k2, (4, DIM_QUERY, 32, 32), dtype=jnp.float32)
    # Ensemble of K 1x1 conv weights (bias=False): [K, dim_query, dim]
    W = jax.random.normal(k3, (CODEBOOK_SIZE, DIM_QUERY, DIM), dtype=jnp.float32) * 0.02
    return {"features": features, "query": query, "W": W}

def reference(features, query, W):
    # norm is Identity (prenorm=False, no norm_module)
    # Ensemble 1x1 conv over all codebook entries: kv [k, b, q, h, w]
    kv = jnp.einsum('bchw,kqc->kbqhw', features, W)
    b = query.shape[0]
    k = kv.shape[0]
    # separate_values=False -> keys = values = key_values
    q_flat = query.reshape(b, 1, -1)                     # b 1 (q h w)
    keys_flat = jnp.transpose(kv, (1, 0, 2, 3, 4)).reshape(b, k, -1)  # b k (q h w)
    # torch.cdist (euclidean) between [b,1,D] and [b,k,D] -> [b,1,k] -> [b,k]
    distance = jnp.sqrt(jnp.sum((q_flat - keys_flat) ** 2, axis=-1))
    logits = -distance
    # eval mode: no gumbel noise, no chain dropout, argmax codes
    codes = jnp.argmax(logits, axis=-1)                  # [b]
    kv_bk = jnp.transpose(kv, (1, 0, 2, 3, 4))           # [b, k, q, h, w]
    sel_key_values = kv_bk[jnp.arange(b), codes]          # [b, q, h, w]
    commit_loss = jnp.mean((sel_key_values - query) ** 2)
    return sel_key_values, codes, commit_loss

if __name__ == "__main__":
    import jax
    _d = setup_inputs()
    print(jax.jit(kernel)(*tuple(_d.values())))

</pallas_src>

<mosaic_0001>
#map = affine_map<(d0, d1) -> (0, 0, 0)>
#map1 = affine_map<(d0, d1) -> (0, 0)>
module attributes {stable_mosaic.version = 14 : i64} {
  func.func @_sc_select(%arg0: i32, %arg1: i32, %arg2: memref<4x8x128xf32, #tpu.memory_space<hbm>>, %arg3: memref<1024x128xf32, #tpu.memory_space<hbm>>, %arg4: memref<8x128xf32, #tpu.memory_space<hbm>>, %arg5: memref<8x128xi32, #tpu.memory_space<hbm>>, %arg6: memref<8x128xf32, #tpu.memory_space<vmem>>, %arg7: memref<16xi32, #tpu.memory_space<vmem>>, %arg8: memref<16x128xf32, #tpu.memory_space<vmem>>, %arg9: memref<16xi32, #tpu.memory_space<vmem>>, %arg10: memref<!tpu.dma_semaphore, #tpu.memory_space<semaphore_mem>>) attributes {dimension_semantics = [#tpu.dimension_semantics<core_parallel>, #tpu.dimension_semantics<subcore_parallel>], iteration_bounds = array<i64: 1, 16>, scalar_prefetch = 0 : i64, scratch_operands = 5 : i64, tpu.core_type = #tpu.core_type<sc_vector_subcore>, window_params = [{transform_indices = #map}, {transform_indices = #map1}, {transform_indices = #map1}, {transform_indices = #map1}]} {
    %lt3A = arith.constant 4 : i32
    %lt3A_0 = arith.cmpi slt, %arg1, %lt3A : i32
    %convert_element_type3A = arith.extui %lt3A_0 : i1 to i32
    %cond3A = arith.constant 0 : i32
    %cond3A_1 = arith.cmpi ne, %convert_element_type3A, %cond3A : i32
    scf.if %cond3A_1 {
      "tpu.region"() ({
        %run_scoped3A_651 = tpu.sem_alloc : memref<!tpu.dma_semaphore, #tpu.memory_space<semaphore_mem>>
        %dma_start3A_652 = arith.constant 0 : i32
        %dma_start3A_653 = arith.constant 0 : i32
        %dma_start3A_654 = tpu.memref_slice %arg2[%arg1, %dma_start3A_652, %dma_start3A_653] : memref<4x8x128xf32, #tpu.memory_space<hbm>> -> memref<1x8x128xf32, #tpu.memory_space<hbm>>
        %dma_start3A_655 = tpu.memref_squeeze %dma_start3A_654 : memref<1x8x128xf32, #tpu.memory_space<hbm>> -> memref<8x128xf32, #tpu.memory_space<hbm>>
        %dma_start3A_656 = arith.constant 0 : i32
        %dma_start3A_657 = arith.constant 0 : i32
        %dma_start3A_658 = tpu.memref_slice %arg2[%arg1, %dma_start3A_656, %dma_start3A_657] : memref<4x8x128xf32, #tpu.memory_space<hbm>> -> memref<1x8x128xf32, #tpu.memory_space<hbm>>
        %dma_start3A_659 = tpu.memref_squeeze %dma_start3A_658 : memref<1x8x128xf32, #tpu.memory_space<hbm>> -> memref<8x128xf32, #tpu.memory_space<hbm>>
        tpu.enqueue_dma source(%dma_start3A_659 : memref<8x128xf32, #tpu.memory_space<hbm>>) target(%arg6 : memref<8x128xf32, #tpu.memory_space<vmem>>) target_semaphore(%run_scoped3A_651 : memref<!tpu.dma_semaphore, #tpu.memory_space<semaphore_mem>>)
        %dma_wait3A_660 = arith.constant 0 : i32
        %dma_wait3A_661 = arith.constant 0 : i32
        %dma_wait3A_662 = tpu.memref_slice %arg2[%arg1, %dma_wait3A_660, %dma_wait3A_661] : memref<4x8x128xf32, #tpu.memory_space<hbm>> -> memref<1x8x128xf32, #tpu.memory_space<hbm>>
        %dma_wait3A_663 = tpu.memref_squeeze %dma_wait3A_662 : memref<1x8x128xf32, #tpu.memory_space<hbm>> -> memref<8x128xf32, #tpu.memory_space<hbm>>
        %dma_wait3A_664 = arith.constant 0 : i32
        %dma_wait3A_665 = arith.constant 0 : i32
        %dma_wait3A_666 = tpu.memref_slice %arg2[%arg1, %dma_wait3A_664, %dma_wait3A_665] : memref<4x8x128xf32, #tpu.memory_space<hbm>> -> memref<1x8x128xf32, #tpu.memory_space<hbm>>
        %dma_wait3A_667 = tpu.memref_squeeze %dma_wait3A_666 : memref<1x8x128xf32, #tpu.memory_space<hbm>> -> memref<8x128xf32, #tpu.memory_space<hbm>>
        tpu.wait_dma2 semaphore(%run_scoped3A_651 : memref<!tpu.dma_semaphore, #tpu.memory_space<semaphore_mem>>) src(%dma_wait3A_667 : memref<8x128xf32, #tpu.memory_space<hbm>>) dst(%arg6 : memref<8x128xf32, #tpu.memory_space<vmem>>)
        tpu.yield
      }) : () -> ()
      %iota3A = tpu.iota {dimensions = array<i32: 0>} : vector<16xi32>
      %broadcast_in_dim3A = arith.constant 0xFF800000 : f32
      %broadcast_in_dim3A_2 = vector.broadcast %broadcast_in_dim3A : f32 to vector<16xf32>
      %broadcast_in_dim3A_3 = arith.constant 0 : i32
      %broadcast_in_dim3A_4 = vector.broadcast %broadcast_in_dim3A_3 : i32 to vector<16xi32>
      %get3A = arith.constant 0 : i32
      %get3A_5 = arith.index_cast %get3A : i32 to index
      %get3A_6 = arith.constant 0 : index
      %get3A_7 = tpu.vector_load %arg6[%get3A_5, %get3A_6] {strides = array<i32>} : memref<8x128xf32, #tpu.memory_space<vmem>>, vector<16xf32>,
      %add3A = arith.constant 0 : i32
      %add3A_8 = vector.broadcast %add3A : i32 to vector<16xi32>
      %add3A_9 = arith.addi %iota3A, %add3A_8 : vector<16xi32>
      %gt3A = arith.cmpf ogt, %get3A_7, %broadcast_in_dim3A_2 : vector<16xf32>
      %select_n3A = arith.select %gt3A, %get3A_7, %broadcast_in_dim3A_2 : vector<16xi1>, vector<16xf32>
      %select_n3A_10 = arith.select %gt3A, %add3A_9, %broadcast_in_dim3A_4 : vector<16xi1>, vector<16xi32>
      %get3A_11 = arith.constant 0 : i32
      %get3A_12 = arith.index_cast %get3A_11 : i32 to index
      %get3A_13 = arith.constant 16 : index
      %get3A_14 = tpu.vector_load %arg6[%get3A_12, %get3A_13] {strides = array<i32>} : memref<8x128xf32, #tpu.memory_space<vmem>>, vector<16xf32>,
      %add3A_15 = arith.constant 16 : i32
      %add3A_16 = vector.broadcast %add3A_15 : i32 to vector<16xi32>
      %add3A_17 = arith.addi %iota3A, %add3A_16 : vector<16xi32>
      %gt3A_18 = arith.cmpf ogt, %get3A_14, %select_n3A : vector<16xf32>
      %select_n3A_19 = arith.select %gt3A_18, %get3A_14, %select_n3A : vector<16xi1>, vector<16xf32>
      %select_n3A_20 = arith.select %gt3A_18, %add3A_17, %select_n3A_10 : vector<16xi1>, vector<16xi32>
      %get3A_21 = arith.constant 0 : i32
      %get3A_22 = arith.index_cast %get3A_21 : i32 to index
      %get3A_23 = arith.constant 32 : index
      %get3A_24 = tpu.vector_load %arg6[%get3A_22, %get3A_23] {strides = array<i32>} : memref<8x128xf32, #tpu.memory_space<vmem>>, vector<16xf32>,
      %add3A_25 = arith.constant 32 : i32
      %add3A_26 = vector.broadcast %add3A_25 : i32 to vector<16xi32>
      %add3A_27 = arith.addi %iota3A, %add3A_26 : vector<16xi32>
      %gt3A_28 = arith.cmpf ogt, %get3A_24, %select_n3A_19 : vector<16xf32>
      %select_n3A_29 = arith.select %gt3A_28, %get3A_24, %select_n3A_19 : vector<16xi1>, vector<16xf32>
      %select_n3A_30 = arith.select %gt3A_28, %add3A_27, %select_n3A_20 : vector<16xi1>, vector<16xi32>
      %get3A_31 = arith.constant 0 : i32
      %get3A_32 = arith.index_cast %get3A_31 : i32 to index
      %get3A_33 = arith.constant 48 : index
      %get3A_34 = tpu.vector_load %arg6[%get3A_32, %get3A_33] {strides = array<i32>} : memref<8x128xf32, #tpu.memory_space<vmem>>, vector<16xf32>,
      %add3A_35 = arith.constant 48 : i32
      %add3A_36 = vector.broadcast %add3A_35 : i32 to vector<16xi32>
      %add3A_37 = arith.addi %iota3A, %add3A_36 : vector<16xi32>
      %gt3A_38 = arith.cmpf ogt, %get3A_34, %select_n3A_29 : vector<16xf32>
      %select_n3A_39 = arith.select %gt3A_38, %get3A_34, %select_n3A_29 : vector<16xi1>, vector<16xf32>
      %select_n3A_40 = arith.select %gt3A_38, %add3A_37, %select_n3A_30 : vector<16xi1>, vector<16xi32>
      %get3A_41 = arith.constant 0 : i32
      %get3A_42 = arith.index_cast %get3A_41 : i32 to index
      %get3A_43 = arith.constant 64 : index
      %get3A_44 = tpu.vector_load %arg6[%get3A_42, %get3A_43] {strides = array<i32>} : memref<8x128xf32, #tpu.memory_space<vmem>>, vector<16xf32>,
      %add3A_45 = arith.constant 64 : i32
      %add3A_46 = vector.broadcast %add3A_45 : i32 to vector<16xi32>
      %add3A_47 = arith.addi %iota3A, %add3A_46 : vector<16xi32>
      %gt3A_48 = arith.cmpf ogt, %get3A_44, %select_n3A_39 : vector<16xf32>
      %select_n3A_49 = arith.select %gt3A_48, %get3A_44, %select_n3A_39 : vector<16xi1>, vector<16xf32>
      %select_n3A_50 = arith.select %gt3A_48, %add3A_47, %select_n3A_40 : vector<16xi1>, vector<16xi32>
      %get3A_51 = arith.constant 0 : i32
      %get3A_52 = arith.index_cast %get3A_51 : i32 to index
      %get3A_53 = arith.constant 80 : index
      %get3A_54 = tpu.vector_load %arg6[%get3A_52, %get3A_53] {strides = array<i32>} : memref<8x128xf32, #tpu.memory_space<vmem>>, vector<16xf32>,
      %add3A_55 = arith.constant 80 : i32
      %add3A_56 = vector.broadcast %add3A_55 : i32 to vector<16xi32>
      %add3A_57 = arith.addi %iota3A, %add3A_56 : vector<16xi32>
      %gt3A_58 = arith.cmpf ogt, %get3A_54, %select_n3A_49 : vector<16xf32>
      %select_n3A_59 = arith.select %gt3A_58, %get3A_54, %select_n3A_49 : vector<16xi1>, vector<16xf32>
      %select_n3A_60 = arith.select %gt3A_58, %add3A_57, %select_n3A_50 : vector<16xi1>, vector<16xi32>
      %get3A_61 = arith.constant 0 : i32
      %get3A_62 = arith.index_cast %get3A_61 : i32 to index
      %get3A_63 = arith.constant 96 : index
      %get3A_64 = tpu.vector_load %arg6[%get3A_62, %get3A_63] {strides = array<i32>} : memref<8x128xf32, #tpu.memory_space<vmem>>, vector<16xf32>,
      %add3A_65 = arith.constant 96 : i32
      %add3A_66 = vector.broadcast %add3A_65 : i32 to vector<16xi32>
      %add3A_67 = arith.addi %iota3A, %add3A_66 : vector<16xi32>
      %gt3A_68 = arith.cmpf ogt, %get3A_64, %select_n3A_59 : vector<16xf32>
      %select_n3A_69 = arith.select %gt3A_68, %get3A_64, %select_n3A_59 : vector<16xi1>, vector<16xf32>
      %select_n3A_70 = arith.select %gt3A_68, %add3A_67, %select_n3A_60 : vector<16xi1>, vector<16xi32>
      %get3A_71 = arith.constant 0 : i32
      %get3A_72 = arith.index_cast %get3A_71 : i32 to index
      %get3A_73 = arith.constant 112 : index
      %get3A_74 = tpu.vector_load %arg6[%get3A_72, %get3A_73] {strides = array<i32>} : memref<8x128xf32, #tpu.memory_space<vmem>>, vector<16xf32>,
      %add3A_75 = arith.constant 112 : i32
      %add3A_76 = vector.broadcast %add3A_75 : i32 to vector<16xi32>
      %add3A_77 = arith.addi %iota3A, %add3A_76 : vector<16xi32>
      %gt3A_78 = arith.cmpf ogt, %get3A_74, %select_n3A_69 : vector<16xf32>
      %select_n3A_79 = arith.select %gt3A_78, %get3A_74, %select_n3A_69 : vector<16xi1>, vector<16xf32>
      %select_n3A_80 = arith.select %gt3A_78, %add3A_77, %select_n3A_70 : vector<16xi1>, vector<16xi32>
      %get3A_81 = arith.constant 1 : i32
      %get3A_82 = arith.index_cast %get3A_81 : i32 to index
      %get3A_83 = arith.constant 0 : index
      %get3A_84 = tpu.vector_load %arg6[%get3A_82, %get3A_83] {strides = array<i32>} : memref<8x128xf32, #tpu.memory_space<vmem>>, vector<16xf32>,
      %add3A_85 = arith.constant 128 : i32
      %add3A_86 = vector.broadcast %add3A_85 : i32 to vector<16xi32>
      %add3A_87 = arith.addi %iota3A, %add3A_86 : vector<16xi32>
      %gt3A_88 = arith.cmpf ogt, %get3A_84, %select_n3A_79 : vector<16xf32>
      %select_n3A_89 = arith.select %gt3A_88, %get3A_84, %select_n3A_79 : vector<16xi1>, vector<16xf32>
      %select_n3A_90 = arith.select %gt3A_88, %add3A_87, %select_n3A_80 : vector<16xi1>, vector<16xi32>
      %get3A_91 = arith.constant 1 : i32
      %get3A_92 = arith.index_cast %get3A_91 : i32 to index
      %get3A_93 = arith.constant 16 : index
      %get3A_94 = tpu.vector_load %arg6[%get3A_92, %get3A_93] {strides = array<i32>} : memref<8x128xf32, #tpu.memory_space<vmem>>, vector<16xf32>,
      %add3A_95 = arith.constant 144 : i32
      %add3A_96 = vector.broadcast %add3A_95 : i32 to vector<16xi32>
      %add3A_97 = arith.addi %iota3A, %add3A_96 : vector<16xi32>
      %gt3A_98 = arith.cmpf ogt, %get3A_94, %select_n3A_89 : vector<16xf32>
      %select_n3A_99 = arith.select %gt3A_98, %get3A_94, %select_n3A_89 : vector<16xi1>, vector<16xf32>
      %select_n3A_100 = arith.select %gt3A_98, %add3A_97, %select_n3A_90 : vector<16xi1>, vector<16xi32>
      %get3A_101 = arith.constant 1 : i32
      %get3A_102 = arith.index_cast %get3A_101 : i32 to index
      %get3A_103 = arith.constant 32 : index
      %get3A_104 = tpu.vector_load %arg6[%get3A_102, %get3A_103] {strides = array<i32>} : memref<8x128xf32, #tpu.memory_space<vmem>>, vector<16xf32>,
      %add3A_105 = arith.constant 160 : i32
      %add3A_106 = vector.broadcast %add3A_105 : i32 to vector<16xi32>
      %add3A_107 = arith.addi %iota3A, %add3A_106 : vector<16xi32>
      %gt3A_108 = arith.cmpf ogt, %get3A_104, %select_n3A_99 : vector<16xf32>
      %select_n3A_109 = arith.select %gt3A_108, %get3A_104, %select_n3A_99 : vector<16xi1>, vector<16xf32>
      %select_n3A_110 = arith.select %gt3A_108, %add3A_107, %select_n3A_100 : vector<16xi1>, vector<16xi32>
      %get3A_111 = arith.constant 1 : i32
      %get3A_112 = arith.index_cast %get3A_111 : i32 to index
      %get3A_113 = arith.constant 48 : index
      %get3A_114 = tpu.vector_load %arg6[%get3A_112, %get3A_113] {strides = array<i32>} : memref<8x128xf32, #tpu.memory_space<vmem>>, vector<16xf32>,
      %add3A_115 = arith.constant 176 : i32
      %add3A_116 = vector.broadcast %add3A_115 : i32 to vector<16xi32>
      %add3A_117 = arith.addi %iota3A, %add3A_116 : vector<16xi32>
      %gt3A_118 = arith.cmpf ogt, %get3A_114, %select_n3A_109 : vector<16xf32>
      %select_n3A_119 = arith.select %gt3A_118, %get3A_114, %select_n3A_109 : vector<16xi1>, vector<16xf32>
      %select_n3A_120 = arith.select %gt3A_118, %add3A_117, %select_n3A_110 : vector<16xi1>, vector<16xi32>
      %get3A_121 = arith.constant 1 : i32
      %get3A_122 = arith.index_cast %get3A_121 : i32 to index
      %get3A_123 = arith.constant 64 : index
      %get3A_124 = tpu.vector_load %arg6[%get3A_122, %get3A_123] {strides = array<i32>} : memref<8x128xf32, #tpu.memory_space<vmem>>, vector<16xf32>,
      %add3A_125 = arith.constant 192 : i32
      %add3A_126 = vector.broadcast %add3A_125 : i32 to vector<16xi32>
      %add3A_127 = arith.addi %iota3A, %add3A_126 : vector<16xi32>
      %gt3A_128 = arith.cmpf ogt, %get3A_124, %select_n3A_119 : vector<16xf32>
      %select_n3A_129 = arith.select %gt3A_128, %get3A_124, %select_n3A_119 : vector<16xi1>, vector<16xf32>
      %select_n3A_130 = arith.select %gt3A_128, %add3A_127, %select_n3A_120 : vector<16xi1>, vector<16xi32>
      %get3A_131 = arith.constant 1 : i32
      %get3A_132 = arith.index_cast %get3A_131 : i32 to index
      %get3A_133 = arith.constant 80 : index
      %get3A_134 = tpu.vector_load %arg6[%get3A_132, %get3A_133] {strides = array<i32>} : memref<8x128xf32, #tpu.memory_space<vmem>>, vector<16xf32>,
      %add3A_135 = arith.constant 208 : i32
      %add3A_136 = vector.broadcast %add3A_135 : i32 to vector<16xi32>
      %add3A_137 = arith.addi %iota3A, %add3A_136 : vector<16xi32>
      %gt3A_138 = arith.cmpf ogt, %get3A_134, %select_n3A_129 : vector<16xf32>
      %select_n3A_139 = arith.select %gt3A_138, %get3A_134, %select_n3A_129 : vector<16xi1>, vector<16xf32>
      %select_n3A_140 = arith.select %gt3A_138, %add3A_137, %select_n3A_130 : vector<16xi1>, vector<16xi32>
      %get3A_141 = arith.constant 1 : i32
      %get3A_142 = arith.index_cast %get3A_141 : i32 to index
      %get3A_143 = arith.constant 96 : index
      %get3A_144 = tpu.vector_load %arg6[%get3A_142, %get3A_143] {strides = array<i32>} : memref<8x128xf32, #tpu.memory_space<vmem>>, vector<16xf32>,
      %add3A_145 = arith.constant 224 : i32
      %add3A_146 = vector.broadcast %add3A_145 : i32 to vector<16xi32>
      %add3A_147 = arith.addi %iota3A, %add3A_146 : vector<16xi32>
      %gt3A_148 = arith.cmpf ogt, %get3A_144, %select_n3A_139 : vector<16xf32>
      %select_n3A_149 = arith.select %gt3A_148, %get3A_144, %select_n3A_139 : vector<16xi1>, vector<16xf32>
      %select_n3A_150 = arith.select %gt3A_148, %add3A_147, %select_n3A_140 : vector<16xi1>, vector<16xi32>
      %get3A_151 = arith.constant 1 : i32
      %get3A_152 = arith.index_cast %get3A_151 : i32 to index
      %get3A_153 = arith.constant 112 : index
      %get3A_154 = tpu.vector_load %arg6[%get3A_152, %get3A_153] {strides = array<i32>} : memref<8x128xf32, #tpu.memory_space<vmem>>, vector<16xf32>,
      %add3A_155 = arith.constant 240 : i32
      %add3A_156 = vector.broadcast %add3A_155 : i32 to vector<16xi32>
      %add3A_157 = arith.addi %iota3A, %add3A_156 : vector<16xi32>
      %gt3A_158 = arith.cmpf ogt, %get3A_154, %select_n3A_149 : vector<16xf32>
      %select_n3A_159 = arith.select %gt3A_158, %get3A_154, %select_n3A_149 : vector<16xi1>, vector<16xf32>
      %select_n3A_160 = arith.select %gt3A_158, %add3A_157, %select_n3A_150 : vector<16xi1>, vector<16xi32>
      %get3A_161 = arith.constant 2 : i32
      %get3A_162 = arith.index_cast %get3A_161 : i32 to index
      %get3A_163 = arith.constant 0 : index
      %get3A_164 = tpu.vector_load %arg6[%get3A_162, %get3A_163] {strides = array<i32>} : memref<8x128xf32, #tpu.memory_space<vmem>>, vector<16xf32>,
      %add3A_165 = arith.constant 256 : i32
      %add3A_166 = vector.broadcast %add3A_165 : i32 to vector<16xi32>
      %add3A_167 = arith.addi %iota3A, %add3A_166 : vector<16xi32>
      %gt3A_168 = arith.cmpf ogt, %get3A_164, %select_n3A_159 : vector<16xf32>
      %select_n3A_169 = arith.select %gt3A_168, %get3A_164, %select_n3A_159 : vector<16xi1>, vector<16xf32>
      %select_n3A_170 = arith.select %gt3A_168, %add3A_167, %select_n3A_160 : vector<16xi1>, vector<16xi32>
      %get3A_171 = arith.constant 2 : i32
      %get3A_172 = arith.index_cast %get3A_171 : i32 to index
      %get3A_173 = arith.constant 16 : index
      %get3A_174 = tpu.vector_load %arg6[%get3A_172, %get3A_173] {strides = array<i32>} : memref<8x128xf32, #tpu.memory_space<vmem>>, vector<16xf32>,
      %add3A_175 = arith.constant 272 : i32
      %add3A_176 = vector.broadcast %add3A_175 : i32 to vector<16xi32>
      %add3A_177 = arith.addi %iota3A, %add3A_176 : vector<16xi32>
      %gt3A_178 = arith.cmpf ogt, %get3A_174, %select_n3A_169 : vector<16xf32>
      %select_n3A_179 = arith.select %gt3A_178, %get3A_174, %select_n3A_169 : vector<16xi1>, vector<16xf32>
      %select_n3A_180 = arith.select %gt3A_178, %add3A_177, %select_n3A_170 : vector<16xi1>, vector<16xi32>
      %get3A_181 = arith.constant 2 : i32
      %get3A_182 = arith.index_cast %get3A_181 : i32 to index
      %get3A_183 = arith.constant 32 : index
      %get3A_184 = tpu.vector_load %arg6[%get3A_182, %get3A_183] {strides = array<i32>} : memref<8x128xf32, #tpu.memory_space<vmem>>, vector<16xf32>,
      %add3A_185 = arith.constant 288 : i32
      %add3A_186 = vector.broadcast %add3A_185 : i32 to vector<16xi32>
      %add3A_187 = arith.addi %iota3A, %add3A_186 : vector<16xi32>
      %gt3A_188 = arith.cmpf ogt, %get3A_184, %select_n3A_179 : vector<16xf32>
      %select_n3A_189 = arith.select %gt3A_188, %get3A_184, %select_n3A_179 : vector<16xi1>, vector<16xf32>
      %select_n3A_190 = arith.select %gt3A_188, %add3A_187, %select_n3A_180 : vector<16xi1>, vector<16xi32>
      %get3A_191 = arith.constant 2 : i32
      %get3A_192 = arith.index_cast %get3A_191 : i32 to index
      %get3A_193 = arith.constant 48 : index
      %get3A_194 = tpu.vector_load %arg6[%get3A_192, %get3A_193] {strides = array<i32>} : memref<8x128xf32, #tpu.memory_space<vmem>>, vector<16xf32>,
      %add3A_195 = arith.constant 304 : i32
      %add3A_196 = vector.broadcast %add3A_195 : i32 to vector<16xi32>
      %add3A_197 = arith.addi %iota3A, %add3A_196 : vector<16xi32>
      %gt3A_198 = arith.cmpf ogt, %get3A_194, %select_n3A_189 : vector<16xf32>
      %select_n3A_199 = arith.select %gt3A_198, %get3A_194, %select_n3A_189 : vector<16xi1>, vector<16xf32>
      %select_n3A_200 = arith.select %gt3A_198, %add3A_197, %select_n3A_190 : vector<16xi1>, vector<16xi32>
      %get3A_201 = arith.constant 2 : i32
      %get3A_202 = arith.index_cast %get3A_201 : i32 to index
      %get3A_203 = arith.constant 64 : index
      %get3A_204 = tpu.vector_load %arg6[%get3A_202, %get3A_203] {strides = array<i32>} : memref<8x128xf32, #tpu.memory_space<vmem>>, vector<16xf32>,
      %add3A_205 = arith.constant 320 : i32
      %add3A_206 = vector.broadcast %add3A_205 : i32 to vector<16xi32>
      %add3A_207 = arith.addi %iota3A, %add3A_206 : vector<16xi32>
      %gt3A_208 = arith.cmpf ogt, %get3A_204, %select_n3A_199 : vector<16xf32>
      %select_n3A_209 = arith.select %gt3A_208, %get3A_204, %select_n3A_199 : vector<16xi1>, vector<16xf32>
      %select_n3A_210 = arith.select %gt3A_208, %add3A_207, %select_n3A_200 : vector<16xi1>, vector<16xi32>
      %get3A_211 = arith.constant 2 : i32
      %get3A_212 = arith.index_cast %get3A_211 : i32 to index
      %get3A_213 = arith.constant 80 : index
      %get3A_214 = tpu.vector_load %arg6[%get3A_212, %get3A_213] {strides = array<i32>} : memref<8x128xf32, #tpu.memory_space<vmem>>, vector<16xf32>,
      %add3A_215 = arith.constant 336 : i32
      %add3A_216 = vector.broadcast %add3A_215 : i32 to vector<16xi32>
      %add3A_217 = arith.addi %iota3A, %add3A_216 : vector<16xi32>
      %gt3A_218 = arith.cmpf ogt, %get3A_214, %select_n3A_209 : vector<16xf32>
      %select_n3A_219 = arith.select %gt3A_218, %get3A_214, %select_n3A_209 : vector<16xi1>, vector<16xf32>
      %select_n3A_220 = arith.select %gt3A_218, %add3A_217, %select_n3A_210 : vector<16xi1>, vector<16xi32>
      %get3A_221 = arith.constant 2 : i32
      %get3A_222 = arith.index_cast %get3A_221 : i32 to index
      %get3A_223 = arith.constant 96 : index
      %get3A_224 = tpu.vector_load %arg6[%get3A_222, %get3A_223] {strides = array<i32>} : memref<8x128xf32, #tpu.memory_space<vmem>>, vector<16xf32>,
      %add3A_225 = arith.constant 352 : i32
      %add3A_226 = vector.broadcast %add3A_225 : i32 to vector<16xi32>
      %add3A_227 = arith.addi %iota3A, %add3A_226 : vector<16xi32>
      %gt3A_228 = arith.cmpf ogt, %get3A_224, %select_n3A_219 : vector<16xf32>
      %select_n3A_229 = arith.select %gt3A_228, %get3A_224, %select_n3A_219 : vector<16xi1>, vector<16xf32>
      %select_n3A_230 = arith.select %gt3A_228, %add3A_227, %select_n3A_220 : vector<16xi1>, vector<16xi32>
      %get3A_231 = arith.constant 2 : i32
      %get3A_232 = arith.index_cast %get3A_231 : i32 to index
      %get3A_233 = arith.constant 112 : index
      %get3A_234 = tpu.vector_load %arg6[%get3A_232, %get3A_233] {strides = array<i32>} : memref<8x128xf32, #tpu.memory_space<vmem>>, vector<16xf32>,
      %add3A_235 = arith.constant 368 : i32
      %add3A_236 = vector.broadcast %add3A_235 : i32 to vector<16xi32>
      %add3A_237 = arith.addi %iota3A, %add3A_236 : vector<16xi32>
      %gt3A_238 = arith.cmpf ogt, %get3A_234, %select_n3A_229 : vector<16xf32>
      %select_n3A_239 = arith.select %gt3A_238, %get3A_234, %select_n3A_229 : vector<16xi1>, vector<16xf32>
      %select_n3A_240 = arith.select %gt3A_238, %add3A_237, %select_n3A_230 : vector<16xi1>, vector<16xi32>
      %get3A_241 = arith.constant 3 : i32
      %get3A_242 = arith.index_cast %get3A_241 : i32 to index
      %get3A_243 = arith.constant 0 : index
      %get3A_244 = tpu.vector_load %arg6[%get3A_242, %get3A_243] {strides = array<i32>} : memref<8x128xf32, #tpu.memory_space<vmem>>, vector<16xf32>,
      %add3A_245 = arith.constant 384 : i32
      %add3A_246 = vector.broadcast %add3A_245 : i32 to vector<16xi32>
      %add3A_247 = arith.addi %iota3A, %add3A_246 : vector<16xi32>
      %gt3A_248 = arith.cmpf ogt, %get3A_244, %select_n3A_239 : vector<16xf32>
      %select_n3A_249 = arith.select %gt3A_248, %get3A_244, %select_n3A_239 : vector<16xi1>, vector<16xf32>
      %select_n3A_250 = arith.select %gt3A_248, %add3A_247, %select_n3A_240 : vector<16xi1>, vector<16xi32>
      %get3A_251 = arith.constant 3 : i32
      %get3A_252 = arith.index_cast %get3A_251 : i32 to index
      %get3A_253 = arith.constant 16 : index
      %get3A_254 = tpu.vector_load %arg6[%get3A_252, %get3A_253] {strides = array<i32>} : memref<8x128xf32, #tpu.memory_space<vmem>>, vector<16xf32>,
      %add3A_255 = arith.constant 400 : i32
      %add3A_256 = vector.broadcast %add3A_255 : i32 to vector<16xi32>
      %add3A_257 = arith.addi %iota3A, %add3A_256 : vector<16xi32>
      %gt3A_258 = arith.cmpf ogt, %get3A_254, %select_n3A_249 : vector<16xf32>
      %select_n3A_259 = arith.select %gt3A_258, %get3A_254, %select_n3A_249 : vector<16xi1>, vector<16xf32>
      %select_n3A_260 = arith.select %gt3A_258, %add3A_257, %select_n3A_250 : vector<16xi1>, vector<16xi32>
      %get3A_261 = arith.constant 3 : i32
      %get3A_262 = arith.index_cast %get3A_261 : i32 to index
      %get3A_263 = arith.constant 32 : index
      %get3A_264 = tpu.vector_load %arg6[%get3A_262, %get3A_263] {strides = array<i32>} : memref<8x128xf32, #tpu.memory_space<vmem>>, vector<16xf32>,
      %add3A_265 = arith.constant 416 : i32
      %add3A_266 = vector.broadcast %add3A_265 : i32 to vector<16xi32>
      %add3A_267 = arith.addi %iota3A, %add3A_266 : vector<16xi32>
      %gt3A_268 = arith.cmpf ogt, %get3A_264, %select_n3A_259 : vector<16xf32>
      %select_n3A_269 = arith.select %gt3A_268, %get3A_264, %select_n3A_259 : vector<16xi1>, vector<16xf32>
      %select_n3A_270 = arith.select %gt3A_268, %add3A_267, %select_n3A_260 : vector<16xi1>, vector<16xi32>
      %get3A_271 = arith.constant 3 : i32
      %get3A_272 = arith.index_cast %get3A_271 : i32 to index
      %get3A_273 = arith.constant 48 : index
      %get3A_274 = tpu.vector_load %arg6[%get3A_272, %get3A_273] {strides = array<i32>} : memref<8x128xf32, #tpu.memory_space<vmem>>, vector<16xf32>,
      %add3A_275 = arith.constant 432 : i32
      %add3A_276 = vector.broadcast %add3A_275 : i32 to vector<16xi32>
      %add3A_277 = arith.addi %iota3A, %add3A_276 : vector<16xi32>
      %gt3A_278 = arith.cmpf ogt, %get3A_274, %select_n3A_269 : vector<16xf32>
      %select_n3A_279 = arith.select %gt3A_278, %get3A_274, %select_n3A_269 : vector<16xi1>, vector<16xf32>
      %select_n3A_280 = arith.select %gt3A_278, %add3A_277, %select_n3A_270 : vector<16xi1>, vector<16xi32>
      %get3A_281 = arith.constant 3 : i32
      %get3A_282 = arith.index_cast %get3A_281 : i32 to index
      %get3A_283 = arith.constant 64 : index
      %get3A_284 = tpu.vector_load %arg6[%get3A_282, %get3A_283] {strides = array<i32>} : memref<8x128xf32, #tpu.memory_space<vmem>>, vector<16xf32>,
      %add3A_285 = arith.constant 448 : i32
      %add3A_286 = vector.broadcast %add3A_285 : i32 to vector<16xi32>
      %add3A_287 = arith.addi %iota3A, %add3A_286 : vector<16xi32>
      %gt3A_288 = arith.cmpf ogt, %get3A_284, %select_n3A_279 : vector<16xf32>
      %select_n3A_289 = arith.select %gt3A_288, %get3A_284, %select_n3A_279 : vector<16xi1>, vector<16xf32>
      %select_n3A_290 = arith.select %gt3A_288, %add3A_287, %select_n3A_280 : vector<16xi1>, vector<16xi32>
      %get3A_291 = arith.constant 3 : i32
      %get3A_292 = arith.index_cast %get3A_291 : i32 to index
      %get3A_293 = arith.constant 80 : index
      %get3A_294 = tpu.vector_load %arg6[%get3A_292, %get3A_293] {strides = array<i32>} : memref<8x128xf32, #tpu.memory_space<vmem>>, vector<16xf32>,
      %add3A_295 = arith.constant 464 : i32
      %add3A_296 = vector.broadcast %add3A_295 : i32 to vector<16xi32>
      %add3A_297 = arith.addi %iota3A, %add3A_296 : vector<16xi32>
      %gt3A_298 = arith.cmpf ogt, %get3A_294, %select_n3A_289 : vector<16xf32>
      %select_n3A_299 = arith.select %gt3A_298, %get3A_294, %select_n3A_289 : vector<16xi1>, vector<16xf32>
      %select_n3A_300 = arith.select %gt3A_298, %add3A_297, %select_n3A_290 : vector<16xi1>, vector<16xi32>
      %get3A_301 = arith.constant 3 : i32
      %get3A_302 = arith.index_cast %get3A_301 : i32 to index
      %get3A_303 = arith.constant 96 : index
      %get3A_304 = tpu.vector_load %arg6[%get3A_302, %get3A_303] {strides = array<i32>} : memref<8x128xf32, #tpu.memory_space<vmem>>, vector<16xf32>,
      %add3A_305 = arith.constant 480 : i32
      %add3A_306 = vector.broadcast %add3A_305 : i32 to vector<16xi32>
      %add3A_307 = arith.addi %iota3A, %add3A_306 : vector<16xi32>
      %gt3A_308 = arith.cmpf ogt, %get3A_304, %select_n3A_299 : vector<16xf32>
      %select_n3A_309 = arith.select %gt3A_308, %get3A_304, %select_n3A_299 : vector<16xi1>, vector<16xf32>
      %select_n3A_310 = arith.select %gt3A_308, %add3A_307, %select_n3A_300 : vector<16xi1>, vector<16xi32>
      %get3A_311 = arith.constant 3 : i32
      %get3A_312 = arith.index_cast %get3A_311 : i32 to index
      %get3A_313 = arith.constant 112 : index
      %get3A_314 = tpu.vector_load %arg6[%get3A_312, %get3A_313] {strides = array<i32>} : memref<8x128xf32, #tpu.memory_space<vmem>>, vector<16xf32>,
      %add3A_315 = arith.constant 496 : i32
      %add3A_316 = vector.broadcast %add3A_315 : i32 to vector<16xi32>
      %add3A_317 = arith.addi %iota3A, %add3A_316 : vector<16xi32>
      %gt3A_318 = arith.cmpf ogt, %get3A_314, %select_n3A_309 : vector<16xf32>
      %select_n3A_319 = arith.select %gt3A_318, %get3A_314, %select_n3A_309 : vector<16xi1>, vector<16xf32>
      %select_n3A_320 = arith.select %gt3A_318, %add3A_317, %select_n3A_310 : vector<16xi1>, vector<16xi32>
      %get3A_321 = arith.constant 4 : i32
      %get3A_322 = arith.index_cast %get3A_321 : i32 to index
      %get3A_323 = arith.constant 0 : index
      %get3A_324 = tpu.vector_load %arg6[%get3A_322, %get3A_323] {strides = array<i32>} : memref<8x128xf32, #tpu.memory_space<vmem>>, vector<16xf32>,
      %add3A_325 = arith.constant 512 : i32
      %add3A_326 = vector.broadcast %add3A_325 : i32 to vector<16xi32>
      %add3A_327 = arith.addi %iota3A, %add3A_326 : vector<16xi32>
      %gt3A_328 = arith.cmpf ogt, %get3A_324, %select_n3A_319 : vector<16xf32>
      %select_n3A_329 = arith.select %gt3A_328, %get3A_324, %select_n3A_319 : vector<16xi1>, vector<16xf32>
      %select_n3A_330 = arith.select %gt3A_328, %add3A_327, %select_n3A_320 : vector<16xi1>, vector<16xi32>
      %get3A_331 = arith.constant 4 : i32
      %get3A_332 = arith.index_cast %get3A_331 : i32 to index
      %get3A_333 = arith.constant 16 : index
      %get3A_334 = tpu.vector_load %arg6[%get3A_332, %get3A_333] {strides = array<i32>} : memref<8x128xf32, #tpu.memory_space<vmem>>, vector<16xf32>,
      %add3A_335 = arith.constant 528 : i32
      %add3A_336 = vector.broadcast %add3A_335 : i32 to vector<16xi32>
      %add3A_337 = arith.addi %iota3A, %add3A_336 : vector<16xi32>
      %gt3A_338 = arith.cmpf ogt, %get3A_334, %select_n3A_329 : vector<16xf32>
      %select_n3A_339 = arith.select %gt3A_338, %get3A_334, %select_n3A_329 : vector<16xi1>, vector<16xf32>
      %select_n3A_340 = arith.select %gt3A_338, %add3A_337, %select_n3A_330 : vector<16xi1>, vector<16xi32>
      %get3A_341 = arith.constant 4 : i32
      %get3A_342 = arith.index_cast %get3A_341 : i32 to index
      %get3A_343 = arith.constant 32 : index
      %get3A_344 = tpu.vector_load %arg6[%get3A_342, %get3A_343] {strides = array<i32>} : memref<8x128xf32, #tpu.memory_space<vmem>>, vector<16xf32>,
      %add3A_345 = arith.constant 544 : i32
      %add3A_346 = vector.broadcast %add3A_345 : i32 to vector<16xi32>
      %add3A_347 = arith.addi %iota3A, %add3A_346 : vector<16xi32>
      %gt3A_348 = arith.cmpf ogt, %get3A_344, %select_n3A_339 : vector<16xf32>
      %select_n3A_349 = arith.select %gt3A_348, %get3A_344, %select_n3A_339 : vector<16xi1>, vector<16xf32>
      %select_n3A_350 = arith.select %gt3A_348, %add3A_347, %select_n3A_340 : vector<16xi1>, vector<16xi32>
      %get3A_351 = arith.constant 4 : i32
      %get3A_352 = arith.index_cast %get3A_351 : i32 to index
      %get3A_353 = arith.constant 48 : index
      %get3A_354 = tpu.vector_load %arg6[%get3A_352, %get3A_353] {strides = array<i32>} : memref<8x128xf32, #tpu.memory_space<vmem>>, vector<16xf32>,
      %add3A_355 = arith.constant 560 : i32
      %add3A_356 = vector.broadcast %add3A_355 : i32 to vector<16xi32>
      %add3A_357 = arith.addi %iota3A, %add3A_356 : vector<16xi32>
      %gt3A_358 = arith.cmpf ogt, %get3A_354, %select_n3A_349 : vector<16xf32>
      %select_n3A_359 = arith.select %gt3A_358, %get3A_354, %select_n3A_349 : vector<16xi1>, vector<16xf32>
      %select_n3A_360 = arith.select %gt3A_358, %add3A_357, %select_n3A_350 : vector<16xi1>, vector<16xi32>
      %get3A_361 = arith.constant 4 : i32
      %get3A_362 = arith.index_cast %get3A_361 : i32 to index
      %get3A_363 = arith.constant 64 : index
      %get3A_364 = tpu.vector_load %arg6[%get3A_362, %get3A_363] {strides = array<i32>} : memref<8x128xf32, #tpu.memory_space<vmem>>, vector<16xf32>,
      %add3A_365 = arith.constant 576 : i32
      %add3A_366 = vector.broadcast %add3A_365 : i32 to vector<16xi32>
      %add3A_367 = arith.addi %iota3A, %add3A_366 : vector<16xi32>
      %gt3A_368 = arith.cmpf ogt, %get3A_364, %select_n3A_359 : vector<16xf32>
      %select_n3A_369 = arith.select %gt3A_368, %get3A_364, %select_n3A_359 : vector<16xi1>, vector<16xf32>
      %select_n3A_370 = arith.select %gt3A_368, %add3A_367, %select_n3A_360 : vector<16xi1>, vector<16xi32>
      %get3A_371 = arith.constant 4 : i32
      %get3A_372 = arith.index_cast %get3A_371 : i32 to index
      %get3A_373 = arith.constant 80 : index
      %get3A_374 = tpu.vector_load %arg6[%get3A_372, %get3A_373] {strides = array<i32>} : memref<8x128xf32, #tpu.memory_space<vmem>>, vector<16xf32>,
      %add3A_375 = arith.constant 592 : i32
      %add3A_376 = vector.broadcast %add3A_375 : i32 to vector<16xi32>
      %add3A_377 = arith.addi %iota3A, %add3A_376 : vector<16xi32>
      %gt3A_378 = arith.cmpf ogt, %get3A_374, %select_n3A_369 : vector<16xf32>
      %select_n3A_379 = arith.select %gt3A_378, %get3A_374, %select_n3A_369 : vector<16xi1>, vector<16xf32>
      %select_n3A_380 = arith.select %gt3A_378, %add3A_377, %select_n3A_370 : vector<16xi1>, vector<16xi32>
      %get3A_381 = arith.constant 4 : i32
      %get3A_382 = arith.index_cast %get3A_381 : i32 to index
      %get3A_383 = arith.constant 96 : index
      %get3A_384 = tpu.vector_load %arg6[%get3A_382, %get3A_383] {strides = array<i32>} : memref<8x128xf32, #tpu.memory_space<vmem>>, vector<16xf32>,
      %add3A_385 = arith.constant 608 : i32
      %add3A_386 = vector.broadcast %add3A_385 : i32 to vector<16xi32>
      %add3A_387 = arith.addi %iota3A, %add3A_386 : vector<16xi32>
      %gt3A_388 = arith.cmpf ogt, %get3A_384, %select_n3A_379 : vector<16xf32>
      %select_n3A_389 = arith.select %gt3A_388, %get3A_384, %select_n3A_379 : vector<16xi1>, vector<16xf32>
      %select_n3A_390 = arith.select %gt3A_388, %add3A_387, %select_n3A_380 : vector<16xi1>, vector<16xi32>
      %get3A_391 = arith.constant 4 : i32
      %get3A_392 = arith.index_cast %get3A_391 : i32 to index
      %get3A_393 = arith.constant 112 : index
      %get3A_394 = tpu.vector_load %arg6[%get3A_392, %get3A_393] {strides = array<i32>} : memref<8x128xf32, #tpu.memory_space<vmem>>, vector<16xf32>,
      %add3A_395 = arith.constant 624 : i32
      %add3A_396 = vector.broadcast %add3A_395 : i32 to vector<16xi32>
      %add3A_397 = arith.addi %iota3A, %add3A_396 : vector<16xi32>
      %gt3A_398 = arith.cmpf ogt, %get3A_394, %select_n3A_389 : vector<16xf32>
      %select_n3A_399 = arith.select %gt3A_398, %get3A_394, %select_n3A_389 : vector<16xi1>, vector<16xf32>
      %select_n3A_400 = arith.select %gt3A_398, %add3A_397, %select_n3A_390 : vector<16xi1>, vector<16xi32>
      %get3A_401 = arith.constant 5 : i32
      %get3A_402 = arith.index_cast %get3A_401 : i32 to index
      %get3A_403 = arith.constant 0 : index
      %get3A_404 = tpu.vector_load %arg6[%get3A_402, %get3A_403] {strides = array<i32>} : memref<8x128xf32, #tpu.memory_space<vmem>>, vector<16xf32>,
      %add3A_405 = arith.constant 640 : i32
      %add3A_406 = vector.broadcast %add3A_405 : i32 to vector<16xi32>
      %add3A_407 = arith.addi %iota3A, %add3A_406 : vector<16xi32>
      %gt3A_408 = arith.cmpf ogt, %get3A_404, %select_n3A_399 : vector<16xf32>
      %select_n3A_409 = arith.select %gt3A_408, %get3A_404, %select_n3A_399 : vector<16xi1>, vector<16xf32>
      %select_n3A_410 = arith.select %gt3A_408, %add3A_407, %select_n3A_400 : vector<16xi1>, vector<16xi32>
      %get3A_411 = arith.constant 5 : i32
      %get3A_412 = arith.index_cast %get3A_411 : i32 to index
      %get3A_413 = arith.constant 16 : index
      %get3A_414 = tpu.vector_load %arg6[%get3A_412, %get3A_413] {strides = array<i32>} : memref<8x128xf32, #tpu.memory_space<vmem>>, vector<16xf32>,
      %add3A_415 = arith.constant 656 : i32
      %add3A_416 = vector.broadcast %add3A_415 : i32 to vector<16xi32>
      %add3A_417 = arith.addi %iota3A, %add3A_416 : vector<16xi32>
      %gt3A_418 = arith.cmpf ogt, %get3A_414, %select_n3A_409 : vector<16xf32>
      %select_n3A_419 = arith.select %gt3A_418, %get3A_414, %select_n3A_409 : vector<16xi1>, vector<16xf32>
      %select_n3A_420 = arith.select %gt3A_418, %add3A_417, %select_n3A_410 : vector<16xi1>, vector<16xi32>
      %get3A_421 = arith.constant 5 : i32
      %get3A_422 = arith.index_cast %get3A_421 : i32 to index
      %get3A_423 = arith.constant 32 : index
      %get3A_424 = tpu.vector_load %arg6[%get3A_422, %get3A_423] {strides = array<i32>} : memref<8x128xf32, #tpu.memory_space<vmem>>, vector<16xf32>,
      %add3A_425 = arith.constant 672 : i32
      %add3A_426 = vector.broadcast %add3A_425 : i32 to vector<16xi32>
      %add3A_427 = arith.addi %iota3A, %add3A_426 : vector<16xi32>
      %gt3A_428 = arith.cmpf ogt, %get3A_424, %select_n3A_419 : vector<16xf32>
      %select_n3A_429 = arith.select %gt3A_428, %get3A_424, %select_n3A_419 : vector<16xi1>, vector<16xf32>
      %select_n3A_430 = arith.select %gt3A_428, %add3A_427, %select_n3A_420 : vector<16xi1>, vector<16xi32>
      %get3A_431 = arith.constant 5 : i32
      %get3A_432 = arith.index_cast %get3A_431 : i32 to index
      %get3A_433 = arith.constant 48 : index
      %get3A_434 = tpu.vector_load %arg6[%get3A_432, %get3A_433] {strides = array<i32>} : memref<8x128xf32, #tpu.memory_space<vmem>>, vector<16xf32>,
      %add3A_435 = arith.constant 688 : i32
      %add3A_436 = vector.broadcast %add3A_435 : i32 to vector<16xi32>
      %add3A_437 = arith.addi %iota3A, %add3A_436 : vector<16xi32>
      %gt3A_438 = arith.cmpf ogt, %get3A_434, %select_n3A_429 : vector<16xf32>
      %select_n3A_439 = arith.select %gt3A_438, %get3A_434, %select_n3A_429 : vector<16xi1>, vector<16xf32>
      %select_n3A_440 = arith.select %gt3A_438, %add3A_437, %select_n3A_430 : vector<16xi1>, vector<16xi32>
      %get3A_441 = arith.constant 5 : i32
      %get3A_442 = arith.index_cast %get3A_441 : i32 to index
      %get3A_443 = arith.constant 64 : index
      %get3A_444 = tpu.vector_load %arg6[%get3A_442, %get3A_443] {strides = array<i32>} : memref<8x128xf32, #tpu.memory_space<vmem>>, vector<16xf32>,
      %add3A_445 = arith.constant 704 : i32
      %add3A_446 = vector.broadcast %add3A_445 : i32 to vector<16xi32>
      %add3A_447 = arith.addi %iota3A, %add3A_446 : vector<16xi32>
      %gt3A_448 = arith.cmpf ogt, %get3A_444, %select_n3A_439 : vector<16xf32>
      %select_n3A_449 = arith.select %gt3A_448, %get3A_444, %select_n3A_439 : vector<16xi1>, vector<16xf32>
      %select_n3A_450 = arith.select %gt3A_448, %add3A_447, %select_n3A_440 : vector<16xi1>, vector<16xi32>
      %get3A_451 = arith.constant 5 : i32
      %get3A_452 = arith.index_cast %get3A_451 : i32 to index
      %get3A_453 = arith.constant 80 : index
      %get3A_454 = tpu.vector_load %arg6[%get3A_452, %get3A_453] {strides = array<i32>} : memref<8x128xf32, #tpu.memory_space<vmem>>, vector<16xf32>,
      %add3A_455 = arith.constant 720 : i32
      %add3A_456 = vector.broadcast %add3A_455 : i32 to vector<16xi32>
      %add3A_457 = arith.addi %iota3A, %add3A_456 : vector<16xi32>
      %gt3A_458 = arith.cmpf ogt, %get3A_454, %select_n3A_449 : vector<16xf32>
      %select_n3A_459 = arith.select %gt3A_458, %get3A_454, %select_n3A_449 : vector<16xi1>, vector<16xf32>
      %select_n3A_460 = arith.select %gt3A_458, %add3A_457, %select_n3A_450 : vector<16xi1>, vector<16xi32>
      %get3A_461 = arith.constant 5 : i32
      %get3A_462 = arith.index_cast %get3A_461 : i32 to index
      %get3A_463 = arith.constant 96 : index
      %get3A_464 = tpu.vector_load %arg6[%get3A_462, %get3A_463] {strides = array<i32>} : memref<8x128xf32, #tpu.memory_space<vmem>>, vector<16xf32>,
      %add3A_465 = arith.constant 736 : i32
      %add3A_466 = vector.broadcast %add3A_465 : i32 to vector<16xi32>
      %add3A_467 = arith.addi %iota3A, %add3A_466 : vector<16xi32>
      %gt3A_468 = arith.cmpf ogt, %get3A_464, %select_n3A_459 : vector<16xf32>
      %select_n3A_469 = arith.select %gt3A_468, %get3A_464, %select_n3A_459 : vector<16xi1>, vector<16xf32>
      %select_n3A_470 = arith.select %gt3A_468, %add3A_467, %select_n3A_460 : vector<16xi1>, vector<16xi32>
      %get3A_471 = arith.constant 5 : i32
      %get3A_472 = arith.index_cast %get3A_471 : i32 to index
      %get3A_473 = arith.constant 112 : index
      %get3A_474 = tpu.vector_load %arg6[%get3A_472, %get3A_473] {strides = array<i32>} : memref<8x128xf32, #tpu.memory_space<vmem>>, vector<16xf32>,
      %add3A_475 = arith.constant 752 : i32
      %add3A_476 = vector.broadcast %add3A_475 : i32 to vector<16xi32>
      %add3A_477 = arith.addi %iota3A, %add3A_476 : vector<16xi32>
      %gt3A_478 = arith.cmpf ogt, %get3A_474, %select_n3A_469 : vector<16xf32>
      %select_n3A_479 = arith.select %gt3A_478, %get3A_474, %select_n3A_469 : vector<16xi1>, vector<16xf32>
      %select_n3A_480 = arith.select %gt3A_478, %add3A_477, %select_n3A_470 : vector<16xi1>, vector<16xi32>
      %get3A_481 = arith.constant 6 : i32
      %get3A_482 = arith.index_cast %get3A_481 : i32 to index
      %get3A_483 = arith.constant 0 : index
      %get3A_484 = tpu.vector_load %arg6[%get3A_482, %get3A_483] {strides = array<i32>} : memref<8x128xf32, #tpu.memory_space<vmem>>, vector<16xf32>,
      %add3A_485 = arith.constant 768 : i32
      %add3A_486 = vector.broadcast %add3A_485 : i32 to vector<16xi32>
      %add3A_487 = arith.addi %iota3A, %add3A_486 : vector<16xi32>
      %gt3A_488 = arith.cmpf ogt, %get3A_484, %select_n3A_479 : vector<16xf32>
      %select_n3A_489 = arith.select %gt3A_488, %get3A_484, %select_n3A_479 : vector<16xi1>, vector<16xf32>
      %select_n3A_490 = arith.select %gt3A_488, %add3A_487, %select_n3A_480 : vector<16xi1>, vector<16xi32>
      %get3A_491 = arith.constant 6 : i32
      %get3A_492 = arith.index_cast %get3A_491 : i32 to index
      %get3A_493 = arith.constant 16 : index
      %get3A_494 = tpu.vector_load %arg6[%get3A_492, %get3A_493] {strides = array<i32>} : memref<8x128xf32, #tpu.memory_space<vmem>>, vector<16xf32>,
      %add3A_495 = arith.constant 784 : i32
      %add3A_496 = vector.broadcast %add3A_495 : i32 to vector<16xi32>
      %add3A_497 = arith.addi %iota3A, %add3A_496 : vector<16xi32>
      %gt3A_498 = arith.cmpf ogt, %get3A_494, %select_n3A_489 : vector<16xf32>
      %select_n3A_499 = arith.select %gt3A_498, %get3A_494, %select_n3A_489 : vector<16xi1>, vector<16xf32>
      %select_n3A_500 = arith.select %gt3A_498, %add3A_497, %select_n3A_490 : vector<16xi1>, vector<16xi32>
      %get3A_501 = arith.constant 6 : i32
      %get3A_502 = arith.index_cast %get3A_501 : i32 to index
      %get3A_503 = arith.constant 32 : index
      %get3A_504 = tpu.vector_load %arg6[%get3A_502, %get3A_503] {strides = array<i32>} : memref<8x128xf32, #tpu.memory_space<vmem>>, vector<16xf32>,
      %add3A_505 = arith.constant 800 : i32
      %add3A_506 = vector.broadcast %add3A_505 : i32 to vector<16xi32>
      %add3A_507 = arith.addi %iota3A, %add3A_506 : vector<16xi32>
      %gt3A_508 = arith.cmpf ogt, %get3A_504, %select_n3A_499 : vector<16xf32>
      %select_n3A_509 = arith.select %gt3A_508, %get3A_504, %select_n3A_499 : vector<16xi1>, vector<16xf32>
      %select_n3A_510 = arith.select %gt3A_508, %add3A_507, %select_n3A_500 : vector<16xi1>, vector<16xi32>
      %get3A_511 = arith.constant 6 : i32
      %get3A_512 = arith.index_cast %get3A_511 : i32 to index
      %get3A_513 = arith.constant 48 : index
      %get3A_514 = tpu.vector_load %arg6[%get3A_512, %get3A_513] {strides = array<i32>} : memref<8x128xf32, #tpu.memory_space<vmem>>, vector<16xf32>,
      %add3A_515 = arith.constant 816 : i32
      %add3A_516 = vector.broadcast %add3A_515 : i32 to vector<16xi32>
      %add3A_517 = arith.addi %iota3A, %add3A_516 : vector<16xi32>
      %gt3A_518 = arith.cmpf ogt, %get3A_514, %select_n3A_509 : vector<16xf32>
      %select_n3A_519 = arith.select %gt3A_518, %get3A_514, %select_n3A_509 : vector<16xi1>, vector<16xf32>
      %select_n3A_520 = arith.select %gt3A_518, %add3A_517, %select_n3A_510 : vector<16xi1>, vector<16xi32>
      %get3A_521 = arith.constant 6 : i32
      %get3A_522 = arith.index_cast %get3A_521 : i32 to index
      %get3A_523 = arith.constant 64 : index
      %get3A_524 = tpu.vector_load %arg6[%get3A_522, %get3A_523] {strides = array<i32>} : memref<8x128xf32, #tpu.memory_space<vmem>>, vector<16xf32>,
      %add3A_525 = arith.constant 832 : i32
      %add3A_526 = vector.broadcast %add3A_525 : i32 to vector<16xi32>
      %add3A_527 = arith.addi %iota3A, %add3A_526 : vector<16xi32>
      %gt3A_528 = arith.cmpf ogt, %get3A_524, %select_n3A_519 : vector<16xf32>
      %select_n3A_529 = arith.select %gt3A_528, %get3A_524, %select_n3A_519 : vector<16xi1>, vector<16xf32>
      %select_n3A_530 = arith.select %gt3A_528, %add3A_527, %select_n3A_520 : vector<16xi1>, vector<16xi32>
      %get3A_531 = arith.constant 6 : i32
      %get3A_532 = arith.index_cast %get3A_531 : i32 to index
      %get3A_533 = arith.constant 80 : index
      %get3A_534 = tpu.vector_load %arg6[%get3A_532, %get3A_533] {strides = array<i32>} : memref<8x128xf32, #tpu.memory_space<vmem>>, vector<16xf32>,
      %add3A_535 = arith.constant 848 : i32
      %add3A_536 = vector.broadcast %add3A_535 : i32 to vector<16xi32>
      %add3A_537 = arith.addi %iota3A, %add3A_536 : vector<16xi32>
      %gt3A_538 = arith.cmpf ogt, %get3A_534, %select_n3A_529 : vector<16xf32>
      %select_n3A_539 = arith.select %gt3A_538, %get3A_534, %select_n3A_529 : vector<16xi1>, vector<16xf32>
      %select_n3A_540 = arith.select %gt3A_538, %add3A_537, %select_n3A_530 : vector<16xi1>, vector<16xi32>
      %get3A_541 = arith.constant 6 : i32
      %get3A_542 = arith.index_cast %get3A_541 : i32 to index
      %get3A_543 = arith.constant 96 : index
      %get3A_544 = tpu.vector_load %arg6[%get3A_542, %get3A_543] {strides = array<i32>} : memref<8x128xf32, #tpu.memory_space<vmem>>, vector<16xf32>,
      %add3A_545 = arith.constant 864 : i32
      %add3A_546 = vector.broadcast %add3A_545 : i32 to vector<16xi32>
      %add3A_547 = arith.addi %iota3A, %add3A_546 : vector<16xi32>
      %gt3A_548 = arith.cmpf ogt, %get3A_544, %select_n3A_539 : vector<16xf32>
      %select_n3A_549 = arith.select %gt3A_548, %get3A_544, %select_n3A_539 : vector<16xi1>, vector<16xf32>
      %select_n3A_550 = arith.select %gt3A_548, %add3A_547, %select_n3A_540 : vector<16xi1>, vector<16xi32>
      %get3A_551 = arith.constant 6 : i32
      %get3A_552 = arith.index_cast %get3A_551 : i32 to index
      %get3A_553 = arith.constant 112 : index
      %get3A_554 = tpu.vector_load %arg6[%get3A_552, %get3A_553] {strides = array<i32>} : memref<8x128xf32, #tpu.memory_space<vmem>>, vector<16xf32>,
      %add3A_555 = arith.constant 880 : i32
      %add3A_556 = vector.broadcast %add3A_555 : i32 to vector<16xi32>
      %add3A_557 = arith.addi %iota3A, %add3A_556 : vector<16xi32>
      %gt3A_558 = arith.cmpf ogt, %get3A_554, %select_n3A_549 : vector<16xf32>
      %select_n3A_559 = arith.select %gt3A_558, %get3A_554, %select_n3A_549 : vector<16xi1>, vector<16xf32>
      %select_n3A_560 = arith.select %gt3A_558, %add3A_557, %select_n3A_550 : vector<16xi1>, vector<16xi32>
      %get3A_561 = arith.constant 7 : i32
      %get3A_562 = arith.index_cast %get3A_561 : i32 to index
      %get3A_563 = arith.constant 0 : index
      %get3A_564 = tpu.vector_load %arg6[%get3A_562, %get3A_563] {strides = array<i32>} : memref<8x128xf32, #tpu.memory_space<vmem>>, vector<16xf32>,
      %add3A_565 = arith.constant 896 : i32
      %add3A_566 = vector.broadcast %add3A_565 : i32 to vector<16xi32>
      %add3A_567 = arith.addi %iota3A, %add3A_566 : vector<16xi32>
      %gt3A_568 = arith.cmpf ogt, %get3A_564, %select_n3A_559 : vector<16xf32>
      %select_n3A_569 = arith.select %gt3A_568, %get3A_564, %select_n3A_559 : vector<16xi1>, vector<16xf32>
      %select_n3A_570 = arith.select %gt3A_568, %add3A_567, %select_n3A_560 : vector<16xi1>, vector<16xi32>
      %get3A_571 = arith.constant 7 : i32
      %get3A_572 = arith.index_cast %get3A_571 : i32 to index
      %get3A_573 = arith.constant 16 : index
      %get3A_574 = tpu.vector_load %arg6[%get3A_572, %get3A_573] {strides = array<i32>} : memref<8x128xf32, #tpu.memory_space<vmem>>, vector<16xf32>,
      %add3A_575 = arith.constant 912 : i32
      %add3A_576 = vector.broadcast %add3A_575 : i32 to vector<16xi32>
      %add3A_577 = arith.addi %iota3A, %add3A_576 : vector<16xi32>
      %gt3A_578 = arith.cmpf ogt, %get3A_574, %select_n3A_569 : vector<16xf32>
      %select_n3A_579 = arith.select %gt3A_578, %get3A_574, %select_n3A_569 : vector<16xi1>, vector<16xf32>
      %select_n3A_580 = arith.select %gt3A_578, %add3A_577, %select_n3A_570 : vector<16xi1>, vector<16xi32>
      %get3A_581 = arith.constant 7 : i32
      %get3A_582 = arith.index_cast %get3A_581 : i32 to index
      %get3A_583 = arith.constant 32 : index
      %get3A_584 = tpu.vector_load %arg6[%get3A_582, %get3A_583] {strides = array<i32>} : memref<8x128xf32, #tpu.memory_space<vmem>>, vector<16xf32>,
      %add3A_585 = arith.constant 928 : i32
      %add3A_586 = vector.broadcast %add3A_585 : i32 to vector<16xi32>
      %add3A_587 = arith.addi %iota3A, %add3A_586 : vector<16xi32>
      %gt3A_588 = arith.cmpf ogt, %get3A_584, %select_n3A_579 : vector<16xf32>
      %select_n3A_589 = arith.select %gt3A_588, %get3A_584, %select_n3A_579 : vector<16xi1>, vector<16xf32>
      %select_n3A_590 = arith.select %gt3A_588, %add3A_587, %select_n3A_580 : vector<16xi1>, vector<16xi32>
      %get3A_591 = arith.constant 7 : i32
      %get3A_592 = arith.index_cast %get3A_591 : i32 to index
      %get3A_593 = arith.constant 48 : index
      %get3A_594 = tpu.vector_load %arg6[%get3A_592, %get3A_593] {strides = array<i32>} : memref<8x128xf32, #tpu.memory_space<vmem>>, vector<16xf32>,
      %add3A_595 = arith.constant 944 : i32
      %add3A_596 = vector.broadcast %add3A_595 : i32 to vector<16xi32>
      %add3A_597 = arith.addi %iota3A, %add3A_596 : vector<16xi32>
      %gt3A_598 = arith.cmpf ogt, %get3A_594, %select_n3A_589 : vector<16xf32>
      %select_n3A_599 = arith.select %gt3A_598, %get3A_594, %select_n3A_589 : vector<16xi1>, vector<16xf32>
      %select_n3A_600 = arith.select %gt3A_598, %add3A_597, %select_n3A_590 : vector<16xi1>, vector<16xi32>
      %get3A_601 = arith.constant 7 : i32
      %get3A_602 = arith.index_cast %get3A_601 : i32 to index
      %get3A_603 = arith.constant 64 : index
      %get3A_604 = tpu.vector_load %arg6[%get3A_602, %get3A_603] {strides = array<i32>} : memref<8x128xf32, #tpu.memory_space<vmem>>, vector<16xf32>,
      %add3A_605 = arith.constant 960 : i32
      %add3A_606 = vector.broadcast %add3A_605 : i32 to vector<16xi32>
      %add3A_607 = arith.addi %iota3A, %add3A_606 : vector<16xi32>
      %gt3A_608 = arith.cmpf ogt, %get3A_604, %select_n3A_599 : vector<16xf32>
      %select_n3A_609 = arith.select %gt3A_608, %get3A_604, %select_n3A_599 : vector<16xi1>, vector<16xf32>
      %select_n3A_610 = arith.select %gt3A_608, %add3A_607, %select_n3A_600 : vector<16xi1>, vector<16xi32>
      %get3A_611 = arith.constant 7 : i32
      %get3A_612 = arith.index_cast %get3A_611 : i32 to index
      %get3A_613 = arith.constant 80 : index
      %get3A_614 = tpu.vector_load %arg6[%get3A_612, %get3A_613] {strides = array<i32>} : memref<8x128xf32, #tpu.memory_space<vmem>>, vector<16xf32>,
      %add3A_615 = arith.constant 976 : i32
      %add3A_616 = vector.broadcast %add3A_615 : i32 to vector<16xi32>
      %add3A_617 = arith.addi %iota3A, %add3A_616 : vector<16xi32>
      %gt3A_618 = arith.cmpf ogt, %get3A_614, %select_n3A_609 : vector<16xf32>
      %select_n3A_619 = arith.select %gt3A_618, %get3A_614, %select_n3A_609 : vector<16xi1>, vector<16xf32>
      %select_n3A_620 = arith.select %gt3A_618, %add3A_617, %select_n3A_610 : vector<16xi1>, vector<16xi32>
      %get3A_621 = arith.constant 7 : i32
      %get3A_622 = arith.index_cast %get3A_621 : i32 to index
      %get3A_623 = arith.constant 96 : index
      %get3A_624 = tpu.vector_load %arg6[%get3A_622, %get3A_623] {strides = array<i32>} : memref<8x128xf32, #tpu.memory_space<vmem>>, vector<16xf32>,
      %add3A_625 = arith.constant 992 : i32
      %add3A_626 = vector.broadcast %add3A_625 : i32 to vector<16xi32>
      %add3A_627 = arith.addi %iota3A, %add3A_626 : vector<16xi32>
      %gt3A_628 = arith.cmpf ogt, %get3A_624, %select_n3A_619 : vector<16xf32>
      %select_n3A_629 = arith.select %gt3A_628, %get3A_624, %select_n3A_619 : vector<16xi1>, vector<16xf32>
      %select_n3A_630 = arith.select %gt3A_628, %add3A_627, %select_n3A_620 : vector<16xi1>, vector<16xi32>
      %get3A_631 = arith.constant 7 : i32
      %get3A_632 = arith.index_cast %get3A_631 : i32 to index
      %get3A_633 = arith.constant 112 : index
      %get3A_634 = tpu.vector_load %arg6[%get3A_632, %get3A_633] {strides = array<i32>} : memref<8x128xf32, #tpu.memory_space<vmem>>, vector<16xf32>,
      %add3A_635 = arith.constant 1008 : i32
      %add3A_636 = vector.broadcast %add3A_635 : i32 to vector<16xi32>
      %add3A_637 = arith.addi %iota3A, %add3A_636 : vector<16xi32>
      %gt3A_638 = arith.cmpf ogt, %get3A_634, %select_n3A_629 : vector<16xf32>
      %select_n3A_639 = arith.select %gt3A_638, %get3A_634, %select_n3A_629 : vector<16xi1>, vector<16xf32>
      %select_n3A_640 = arith.select %gt3A_638, %add3A_637, %select_n3A_630 : vector<16xi1>, vector<16xi32>
      %masked_sort3A = arith.constant dense<true> : vector<16xi1>
      %masked_sort3A_641, %masked_sort3A_642, %masked_sort3A_643 = tpu.sort %select_n3A_639, %select_n3A_640 masked %masked_sort3A {descending = true} : (vector<16xf32>, vector<16xi32>, vector<16xi1>) -> (vector<16xi1>, vector<16xf32>, vector<16xi32>)
      %swap3A = arith.constant 0 : index
      %swap3A_644 = tpu.vector_load %arg7[%swap3A] {strides = array<i32>} : memref<16xi32, #tpu.memory_space<vmem>>, vector<16xi32>,
      tpu.vector_store %arg7[%swap3A], %masked_sort3A_643 {strides = array<i32>} : memref<16xi32, #tpu.memory_space<vmem>>, vector<16xi32>,
      %swap3A_645 = arith.constant 0 : index
      %swap3A_646 = tpu.vector_load %arg9[%swap3A_645] {strides = array<i32>} : memref<16xi32, #tpu.memory_space<vmem>>, vector<16xi32>,
      tpu.vector_store %arg9[%swap3A_645], %masked_sort3A_643 {strides = array<i32>} : memref<16xi32, #tpu.memory_space<vmem>>, vector<16xi32>,
      %dma_start3A = arith.constant 0 : i32
      %dma_start3A_647 = arith.constant 0 : i32
      %dma_start3A_648 = tpu.memref_slice %arg3[%dma_start3A, %dma_start3A_647] : memref<1024x128xf32, #tpu.memory_space<hbm>> -> memref<1024x128xf32, #tpu.memory_space<hbm>>
      tpu.enqueue_indirect_dma source(%dma_start3A_648 : memref<1024x128xf32, #tpu.memory_space<hbm>>) target(%arg8 : memref<16x128xf32, #tpu.memory_space<vmem>>) offsets(%arg7 : memref<16xi32, #tpu.memory_space<vmem>>) semaphore(%arg10 : memref<!tpu.dma_semaphore, #tpu.memory_space<semaphore_mem>>)
      %dma_wait3A = arith.constant 0 : i32
      %dma_wait3A_649 = arith.constant 0 : i32
      %dma_wait3A_650 = tpu.memref_slice %arg3[%dma_wait3A, %dma_wait3A_649] : memref<1024x128xf32, #tpu.memory_space<hbm>> -> memref<1024x128xf32, #tpu.memory_space<hbm>>
      tpu.wait_indirect_dma semaphore(%arg10 : memref<!tpu.dma_semaphore, #tpu.memory_space<semaphore_mem>>) src(%dma_wait3A_650 : memref<1024x128xf32, #tpu.memory_space<hbm>>) dst(%arg8 : memref<16x128xf32, #tpu.memory_space<vmem>>)
      %run_scoped3A = arith.constant 0 : i32
      "tpu.region"() ({
        %run_scoped3A_651 = tpu.sem_alloc : memref<!tpu.dma_semaphore, #tpu.memory_space<semaphore_mem>>
        %dma_start3A_652 = arith.constant 0 : i32
        %dma_start3A_653 = tpu.memref_slice %arg8[%run_scoped3A, %dma_start3A_652] : memref<16x128xf32, #tpu.memory_space<vmem>> -> memref<1x128xf32, #tpu.memory_space<vmem>>
        %dma_start3A_654 = tpu.memref_squeeze %dma_start3A_653 : memref<1x128xf32, #tpu.memory_space<vmem>> -> memref<128xf32, #tpu.memory_space<vmem>>
        %dma_start3A_655 = arith.constant 0 : i32
        %dma_start3A_656 = tpu.memref_slice %arg4[%arg1, %dma_start3A_655] : memref<8x128xf32, #tpu.memory_space<hbm>> -> memref<1x128xf32, #tpu.memory_space<hbm>>
        %dma_start3A_657 = tpu.memref_squeeze %dma_start3A_656 : memref<1x128xf32, #tpu.memory_space<hbm>> -> memref<128xf32, #tpu.memory_space<hbm>>
        %dma_start3A_658 = arith.constant 0 : i32
        %dma_start3A_659 = tpu.memref_slice %arg4[%arg1, %dma_start3A_658] : memref<8x128xf32, #tpu.memory_space<hbm>> -> memref<1x128xf32, #tpu.memory_space<hbm>>
        %dma_start3A_660 = tpu.memref_squeeze %dma_start3A_659 : memref<1x128xf32, #tpu.memory_space<hbm>> -> memref<128xf32, #tpu.memory_space<hbm>>
        %dma_start3A_661 = arith.constant 0 : i32
        %dma_start3A_662 = tpu.memref_slice %arg8[%run_scoped3A, %dma_start3A_661] : memref<16x128xf32, #tpu.memory_space<vmem>> -> memref<1x128xf32, #tpu.memory_space<vmem>>
        %dma_start3A_663 = tpu.memref_squeeze %dma_start3A_662 : memref<1x128xf32, #tpu.memory_space<vmem>> -> memref<128xf32, #tpu.memory_space<vmem>>
        tpu.enqueue_dma source(%dma_start3A_663 : memref<128xf32, #tpu.memory_space<vmem>>) target(%dma_start3A_660 : memref<128xf32, #tpu.memory_space<hbm>>) target_semaphore(%run_scoped3A_651 : memref<!tpu.dma_semaphore, #tpu.memory_space<semaphore_mem>>)
        %dma_wait3A_664 = arith.constant 0 : i32
        %dma_wait3A_665 = tpu.memref_slice %arg8[%run_scoped3A, %dma_wait3A_664] : memref<16x128xf32, #tpu.memory_space<vmem>> -> memref<1x128xf32, #tpu.memory_space<vmem>>
        %dma_wait3A_666 = tpu.memref_squeeze %dma_wait3A_665 : memref<1x128xf32, #tpu.memory_space<vmem>> -> memref<128xf32, #tpu.memory_space<vmem>>
        %dma_wait3A_667 = arith.constant 0 : i32
        %dma_wait3A_668 = tpu.memref_slice %arg4[%arg1, %dma_wait3A_667] : memref<8x128xf32, #tpu.memory_space<hbm>> -> memref<1x128xf32, #tpu.memory_space<hbm>>
        %dma_wait3A_669 = tpu.memref_squeeze %dma_wait3A_668 : memref<1x128xf32, #tpu.memory_space<hbm>> -> memref<128xf32, #tpu.memory_space<hbm>>
        %dma_wait3A_670 = arith.constant 0 : i32
        %dma_wait3A_671 = tpu.memref_slice %arg4[%arg1, %dma_wait3A_670] : memref<8x128xf32, #tpu.memory_space<hbm>> -> memref<1x128xf32, #tpu.memory_space<hbm>>
        %dma_wait3A_672 = tpu.memref_squeeze %dma_wait3A_671 : memref<1x128xf32, #tpu.memory_space<hbm>> -> memref<128xf32, #tpu.memory_space<hbm>>
        %dma_wait3A_673 = arith.constant 0 : i32
        %dma_wait3A_674 = tpu.memref_slice %arg8[%run_scoped3A, %dma_wait3A_673] : memref<16x128xf32, #tpu.memory_space<vmem>> -> memref<1x128xf32, #tpu.memory_space<vmem>>
        %dma_wait3A_675 = tpu.memref_squeeze %dma_wait3A_674 : memref<1x128xf32, #tpu.memory_space<vmem>> -> memref<128xf32, #tpu.memory_space<vmem>>
        tpu.wait_dma2 semaphore(%run_scoped3A_651 : memref<!tpu.dma_semaphore, #tpu.memory_space<semaphore_mem>>) src(%dma_wait3A_675 : memref<128xf32, #tpu.memory_space<vmem>>) dst(%dma_wait3A_672 : memref<128xf32, #tpu.memory_space<hbm>>)
        tpu.yield
      }) : () -> ()
      "tpu.region"() ({
        %run_scoped3A_651 = tpu.sem_alloc : memref<!tpu.dma_semaphore, #tpu.memory_space<semaphore_mem>>
        %dma_start3A_652 = arith.constant 0 : i32
        %dma_start3A_653 = tpu.memref_slice %arg5[%arg1, %dma_start3A_652] : memref<8x128xi32, #tpu.memory_space<hbm>> -> memref<1x16xi32, #tpu.memory_space<hbm>>
        %dma_start3A_654 = tpu.memref_squeeze %dma_start3A_653 : memref<1x16xi32, #tpu.memory_space<hbm>> -> memref<16xi32, #tpu.memory_space<hbm>>
        %dma_start3A_655 = arith.constant 0 : i32
        %dma_start3A_656 = tpu.memref_slice %arg5[%arg1, %dma_start3A_655] : memref<8x128xi32, #tpu.memory_space<hbm>> -> memref<1x16xi32, #tpu.memory_space<hbm>>
        %dma_start3A_657 = tpu.memref_squeeze %dma_start3A_656 : memref<1x16xi32, #tpu.memory_space<hbm>> -> memref<16xi32, #tpu.memory_space<hbm>>
        tpu.enqueue_dma source(%arg9 : memref<16xi32, #tpu.memory_space<vmem>>) target(%dma_start3A_657 : memref<16xi32, #tpu.memory_space<hbm>>) target_semaphore(%run_scoped3A_651 : memref<!tpu.dma_semaphore, #tpu.memory_space<semaphore_mem>>)
        %dma_wait3A_658 = arith.constant 0 : i32
        %dma_wait3A_659 = tpu.memref_slice %arg5[%arg1, %dma_wait3A_658] : memref<8x128xi32, #tpu.memory_space<hbm>> -> memref<1x16xi32, #tpu.memory_space<hbm>>
        %dma_wait3A_660 = tpu.memref_squeeze %dma_wait3A_659 : memref<1x16xi32, #tpu.memory_space<hbm>> -> memref<16xi32, #tpu.memory_space<hbm>>
        %dma_wait3A_661 = arith.constant 0 : i32
        %dma_wait3A_662 = tpu.memref_slice %arg5[%arg1, %dma_wait3A_661] : memref<8x128xi32, #tpu.memory_space<hbm>> -> memref<1x16xi32, #tpu.memory_space<hbm>>
        %dma_wait3A_663 = tpu.memref_squeeze %dma_wait3A_662 : memref<1x16xi32, #tpu.memory_space<hbm>> -> memref<16xi32, #tpu.memory_space<hbm>>
        tpu.wait_dma2 semaphore(%run_scoped3A_651 : memref<!tpu.dma_semaphore, #tpu.memory_space<semaphore_mem>>) src(%arg9 : memref<16xi32, #tpu.memory_space<vmem>>) dst(%dma_wait3A_663 : memref<16xi32, #tpu.memory_space<hbm>>)
        tpu.yield
      }) : () -> ()
    } else {
    }
    return
  }
}

module attributes {stable_mosaic.version = 14 : i64} {
  func.func @_scores_kernel(%arg0: memref<4x32x32x32xf32, #tpu.memory_space<vmem>>, %arg1: memref<4x4x32x32xf32, #tpu.memory_space<vmem>>, %arg2: memref<1024x128xf32, #tpu.memory_space<vmem>>, %arg3: memref<4x8x128xf32, #tpu.memory_space<vmem>>) attributes {dimension_semantics = [], scalar_prefetch = 0 : i64, scratch_operands = 0 : i64, tpu.core_type = #tpu.core_type<tc>} {
    %get3A = arith.constant 0 : index
    %get3A_0 = arith.constant 0 : index
    %get3A_1 = vector.load %arg2[%get3A, %get3A_0] : memref<1024x128xf32, #tpu.memory_space<vmem>>, vector<1024x128xf32>
    %get3A_2 = arith.constant 0 : index
    %get3A_3 = arith.constant 0 : index
    %get3A_4 = arith.constant 0 : index
    %get3A_5 = arith.constant 0 : index
    %get3A_6 = vector.load %arg0[%get3A_2, %get3A_3, %get3A_4, %get3A_5] : memref<4x32x32x32xf32, #tpu.memory_space<vmem>>, vector<4x32x32x32xf32>
    %reshape3A = vector.shape_cast %get3A_6 : vector<4x32x32x32xf32> to vector<128x1024xf32>
    %get3A_7 = arith.constant 0 : index
    %get3A_8 = arith.constant 0 : index
    %get3A_9 = arith.constant 0 : index
    %get3A_10 = arith.constant 0 : index
    %get3A_11 = vector.load %arg1[%get3A_7, %get3A_8, %get3A_9, %get3A_10] : memref<4x4x32x32xf32, #tpu.memory_space<vmem>>, vector<4x4x32x32xf32>
    %reshape3A_12 = vector.shape_cast %get3A_11 : vector<4x4x32x32xf32> to vector<16x1024xf32>
    %dot_general3A = arith.constant dense<0.000000e+00> : vector<128x128xf32>
    %dot_general3A_13 = tpu.matmul %reshape3A, %reshape3A, %dot_general3A {dimension_numbers = #tpu.dot_dimension_numbers<[1], [1], [0], [0], [0, 0, 1, 0], [], []>, precision = #tpu.contract_precision<fp32>, transpose_lhs_hint = false} : vector<128x1024xf32>, vector<128x1024xf32>, vector<128x128xf32> -> vector<128x128xf32>
    %dot_general3A_14 = arith.constant dense<0.000000e+00> : vector<16x128xf32>
    %dot_general3A_15 = tpu.matmul %reshape3A_12, %reshape3A, %dot_general3A_14 {dimension_numbers = #tpu.dot_dimension_numbers<[1], [1], [0], [0], [0, 0, 1, 0], [], []>, precision = #tpu.contract_precision<fp32>, transpose_lhs_hint = false} : vector<16x1024xf32>, vector<128x1024xf32>, vector<16x128xf32> -> vector<16x128xf32>
    %iota3A = tpu.iota {dimensions = array<i32: 0>} : vector<128x512xi32>
    %iota3A_16 = tpu.iota {dimensions = array<i32: 1>} : vector<128x512xi32>
    %jit3A = arith.constant 32 : i32
    %div3A = vector.broadcast %jit3A : i32 to vector<128x512xi32>
    %div3A_17 = arith.divsi %iota3A, %div3A : vector<128x512xi32>
    %sign3A = arith.constant 0 : i32
    %sign3A_18 = vector.broadcast %sign3A : i32 to vector<128x512xi32>
    %sign3A_19 = arith.cmpi sgt, %iota3A, %sign3A_18 : vector<128x512xi32>
    %sign3A_20 = arith.extui %sign3A_19 : vector<128x512xi1> to vector<128x512xi32>
    %sign3A_21 = arith.constant 0 : i32
    %sign3A_22 = vector.broadcast %sign3A_21 : i32 to vector<128x512xi32>
    %sign3A_23 = arith.cmpi slt, %iota3A, %sign3A_22 : vector<128x512xi32>
    %sign3A_24 = arith.extui %sign3A_23 : vector<128x512xi1> to vector<128x512xi32>
    %sign3A_25 = arith.subi %sign3A_20, %sign3A_24 : vector<128x512xi32>
    %sign3A_26 = arith.constant 0 : i32
    %sign3A_27 = arith.cmpi sgt, %jit3A, %sign3A_26 : i32
    %sign3A_28 = arith.extui %sign3A_27 : i1 to i32
    %sign3A_29 = arith.constant 0 : i32
    %sign3A_30 = arith.cmpi slt, %jit3A, %sign3A_29 : i32
    %sign3A_31 = arith.extui %sign3A_30 : i1 to i32
    %sign3A_32 = arith.subi %sign3A_28, %sign3A_31 : i32
    %ne3A = vector.broadcast %sign3A_32 : i32 to vector<128x512xi32>
    %ne3A_33 = arith.cmpi ne, %sign3A_25, %ne3A : vector<128x512xi32>
    %rem3A = vector.broadcast %jit3A : i32 to vector<128x512xi32>
    %rem3A_34 = arith.remsi %iota3A, %rem3A : vector<128x512xi32>
    %ne3A_35 = arith.constant 0 : i32
    %ne3A_36 = vector.broadcast %ne3A_35 : i32 to vector<128x512xi32>
    %ne3A_37 = arith.cmpi ne, %rem3A_34, %ne3A_36 : vector<128x512xi32>
    %and3A = arith.andi %ne3A_33, %ne3A_37 : vector<128x512xi1>
    %sub3A = arith.constant 1 : i32
    %sub3A_38 = vector.broadcast %sub3A : i32 to vector<128x512xi32>
    %sub3A_39 = arith.subi %div3A_17, %sub3A_38 : vector<128x512xi32>
    %select_n3A = arith.select %and3A, %sub3A_39, %div3A_17 : vector<128x512xi1>, vector<128x512xi32>
    %jit3A_40 = arith.constant 32 : i32
    %div3A_41 = vector.broadcast %jit3A_40 : i32 to vector<128x512xi32>
    %div3A_42 = arith.divsi %iota3A_16, %div3A_41 : vector<128x512xi32>
    %sign3A_43 = arith.constant 0 : i32
    %sign3A_44 = vector.broadcast %sign3A_43 : i32 to vector<128x512xi32>
    %sign3A_45 = arith.cmpi sgt, %iota3A_16, %sign3A_44 : vector<128x512xi32>
    %sign3A_46 = arith.extui %sign3A_45 : vector<128x512xi1> to vector<128x512xi32>
    %sign3A_47 = arith.constant 0 : i32
    %sign3A_48 = vector.broadcast %sign3A_47 : i32 to vector<128x512xi32>
    %sign3A_49 = arith.cmpi slt, %iota3A_16, %sign3A_48 : vector<128x512xi32>
    %sign3A_50 = arith.extui %sign3A_49 : vector<128x512xi1> to vector<128x512xi32>
    %sign3A_51 = arith.subi %sign3A_46, %sign3A_50 : vector<128x512xi32>
    %sign3A_52 = arith.constant 0 : i32
    %sign3A_53 = arith.cmpi sgt, %jit3A_40, %sign3A_52 : i32
    %sign3A_54 = arith.extui %sign3A_53 : i1 to i32
    %sign3A_55 = arith.constant 0 : i32
    %sign3A_56 = arith.cmpi slt, %jit3A_40, %sign3A_55 : i32
    %sign3A_57 = arith.extui %sign3A_56 : i1 to i32
    %sign3A_58 = arith.subi %sign3A_54, %sign3A_57 : i32
    %ne3A_59 = vector.broadcast %sign3A_58 : i32 to vector<128x512xi32>
    %ne3A_60 = arith.cmpi ne, %sign3A_51, %ne3A_59 : vector<128x512xi32>
    %rem3A_61 = vector.broadcast %jit3A_40 : i32 to vector<128x512xi32>
    %rem3A_62 = arith.remsi %iota3A_16, %rem3A_61 : vector<128x512xi32>
    %ne3A_63 = arith.constant 0 : i32
    %ne3A_64 = vector.broadcast %ne3A_63 : i32 to vector<128x512xi32>
    %ne3A_65 = arith.cmpi ne, %rem3A_62, %ne3A_64 : vector<128x512xi32>
    %and3A_66 = arith.andi %ne3A_60, %ne3A_65 : vector<128x512xi1>
    %sub3A_67 = arith.constant 1 : i32
    %sub3A_68 = vector.broadcast %sub3A_67 : i32 to vector<128x512xi32>
    %sub3A_69 = arith.subi %div3A_42, %sub3A_68 : vector<128x512xi32>
    %select_n3A_70 = arith.select %and3A_66, %sub3A_69, %div3A_42 : vector<128x512xi1>, vector<128x512xi32>
    %jit3A_71 = arith.constant 4 : i32
    %eq3A = arith.constant 0 : i32
    %eq3A_72 = arith.cmpi eq, %jit3A_71, %eq3A : i32
    %jit3A_73 = arith.constant 1 : i32
    %select_n3A_74 = arith.select %eq3A_72, %jit3A_73, %jit3A_71 : i32
    %rem3A_75 = vector.broadcast %select_n3A_74 : i32 to vector<128x512xi32>
    %rem3A_76 = arith.remsi %select_n3A_70, %rem3A_75 : vector<128x512xi32>
    %ne3A_77 = arith.constant 0 : i32
    %ne3A_78 = vector.broadcast %ne3A_77 : i32 to vector<128x512xi32>
    %ne3A_79 = arith.cmpi ne, %rem3A_76, %ne3A_78 : vector<128x512xi32>
    %lt3A = arith.constant 0 : i32
    %lt3A_80 = vector.broadcast %lt3A : i32 to vector<128x512xi32>
    %lt3A_81 = arith.cmpi slt, %rem3A_76, %lt3A_80 : vector<128x512xi32>
    %lt3A_82 = arith.constant 0 : i32
    %lt3A_83 = arith.cmpi slt, %select_n3A_74, %lt3A_82 : i32
    %ne3A_84 = vector.broadcast %lt3A_83 : i1 to vector<128x512xi1>
    %ne3A_85 = vector.broadcast %ne3A_84 : vector<128x512xi1> to vector<128x512xi1>
    %ne3A_86 = arith.xori %lt3A_81, %ne3A_85 : vector<128x512xi1>
    %and3A_87 = arith.andi %ne3A_86, %ne3A_79 : vector<128x512xi1>
    %add3A = vector.broadcast %select_n3A_74 : i32 to vector<128x512xi32>
    %add3A_88 = arith.addi %rem3A_76, %add3A : vector<128x512xi32>
    %select_n3A_89 = arith.select %and3A_87, %add3A_88, %rem3A_76 : vector<128x512xi1>, vector<128x512xi32>
    %eq3A_90 = arith.cmpi eq, %select_n3A, %select_n3A_89 : vector<128x512xi32>
    %slice3A = vector.extract_strided_slice %dot_general3A_13 {offsets = [0, 0], sizes = [32, 32], strides = [1, 1]} : vector<128x128xf32> to vector<32x32xf32>
    %concatenate3A = tpu.concatenate %slice3A, %slice3A, %slice3A, %slice3A in 1 : vector<32x32xf32>, vector<32x32xf32>, vector<32x32xf32>, vector<32x32xf32> -> vector<32x128xf32>
    %concatenate3A_91 = tpu.concatenate %concatenate3A, %concatenate3A, %concatenate3A, %concatenate3A in 0 : vector<32x128xf32>, vector<32x128xf32>, vector<32x128xf32>, vector<32x128xf32> -> vector<128x128xf32>
    %slice3A_92 = vector.extract_strided_slice %dot_general3A_13 {offsets = [32, 32], sizes = [32, 32], strides = [1, 1]} : vector<128x128xf32> to vector<32x32xf32>
    %concatenate3A_93 = tpu.concatenate %slice3A_92, %slice3A_92, %slice3A_92, %slice3A_92 in 1 : vector<32x32xf32>, vector<32x32xf32>, vector<32x32xf32>, vector<32x32xf32> -> vector<32x128xf32>
    %concatenate3A_94 = tpu.concatenate %concatenate3A_93, %concatenate3A_93, %concatenate3A_93, %concatenate3A_93 in 0 : vector<32x128xf32>, vector<32x128xf32>, vector<32x128xf32>, vector<32x128xf32> -> vector<128x128xf32>
    %slice3A_95 = vector.extract_strided_slice %dot_general3A_13 {offsets = [64, 64], sizes = [32, 32], strides = [1, 1]} : vector<128x128xf32> to vector<32x32xf32>
    %concatenate3A_96 = tpu.concatenate %slice3A_95, %slice3A_95, %slice3A_95, %slice3A_95 in 1 : vector<32x32xf32>, vector<32x32xf32>, vector<32x32xf32>, vector<32x32xf32> -> vector<32x128xf32>
    %concatenate3A_97 = tpu.concatenate %concatenate3A_96, %concatenate3A_96, %concatenate3A_96, %concatenate3A_96 in 0 : vector<32x128xf32>, vector<32x128xf32>, vector<32x128xf32>, vector<32x128xf32> -> vector<128x128xf32>
    %slice3A_98 = vector.extract_strided_slice %dot_general3A_13 {offsets = [96, 96], sizes = [32, 32], strides = [1, 1]} : vector<128x128xf32> to vector<32x32xf32>
    %concatenate3A_99 = tpu.concatenate %slice3A_98, %slice3A_98, %slice3A_98, %slice3A_98 in 1 : vector<32x32xf32>, vector<32x32xf32>, vector<32x32xf32>, vector<32x32xf32> -> vector<32x128xf32>
    %concatenate3A_100 = tpu.concatenate %concatenate3A_99, %concatenate3A_99, %concatenate3A_99, %concatenate3A_99 in 0 : vector<32x128xf32>, vector<32x128xf32>, vector<32x128xf32>, vector<32x128xf32> -> vector<128x128xf32>
    %concatenate3A_101 = tpu.concatenate %concatenate3A_91, %concatenate3A_94, %concatenate3A_97, %concatenate3A_100 in 1 : vector<128x128xf32>, vector<128x128xf32>, vector<128x128xf32>, vector<128x128xf32> -> vector<128x512xf32>
    %jit3A_102 = arith.constant 0.000000e+00 : f32
    %broadcast_in_dim3A = vector.broadcast %jit3A_102 : f32 to vector<128x512xf32>
    %select_n3A_103 = arith.select %eq3A_90, %concatenate3A_101, %broadcast_in_dim3A : vector<128x512xi1>, vector<128x512xf32>
    %dot_general3A_104 = arith.constant dense<0.000000e+00> : vector<1024x512xf32>
    %dot_general3A_105 = tpu.matmul %get3A_1, %select_n3A_103, %dot_general3A_104 {dimension_numbers = #tpu.dot_dimension_numbers<[1], [0], [0], [1], [0, 0, 1, 1], [], []>, precision = #tpu.contract_precision<fp32>, transpose_lhs_hint = false} : vector<1024x128xf32>, vector<128x512xf32>, vector<1024x512xf32> -> vector<1024x512xf32>
    %slice3A_106 = vector.extract_strided_slice %dot_general3A_15 {offsets = [0, 0], sizes = [1, 32], strides = [1, 1]} : vector<16x128xf32> to vector<1x32xf32>
    %slice3A_107 = vector.extract_strided_slice %dot_general3A_15 {offsets = [1, 0], sizes = [1, 32], strides = [1, 1]} : vector<16x128xf32> to vector<1x32xf32>
    %slice3A_108 = vector.extract_strided_slice %dot_general3A_15 {offsets = [2, 0], sizes = [1, 32], strides = [1, 1]} : vector<16x128xf32> to vector<1x32xf32>
    %slice3A_109 = vector.extract_strided_slice %dot_general3A_15 {offsets = [3, 0], sizes = [1, 32], strides = [1, 1]} : vector<16x128xf32> to vector<1x32xf32>
    %slice3A_110 = vector.extract_strided_slice %dot_general3A_15 {offsets = [4, 32], sizes = [1, 32], strides = [1, 1]} : vector<16x128xf32> to vector<1x32xf32>
    %slice3A_111 = vector.extract_strided_slice %dot_general3A_15 {offsets = [5, 32], sizes = [1, 32], strides = [1, 1]} : vector<16x128xf32> to vector<1x32xf32>
    %slice3A_112 = vector.extract_strided_slice %dot_general3A_15 {offsets = [6, 32], sizes = [1, 32], strides = [1, 1]} : vector<16x128xf32> to vector<1x32xf32>
    %slice3A_113 = vector.extract_strided_slice %dot_general3A_15 {offsets = [7, 32], sizes = [1, 32], strides = [1, 1]} : vector<16x128xf32> to vector<1x32xf32>
    %slice3A_114 = vector.extract_strided_slice %dot_general3A_15 {offsets = [8, 64], sizes = [1, 32], strides = [1, 1]} : vector<16x128xf32> to vector<1x32xf32>
    %slice3A_115 = vector.extract_strided_slice %dot_general3A_15 {offsets = [9, 64], sizes = [1, 32], strides = [1, 1]} : vector<16x128xf32> to vector<1x32xf32>
    %slice3A_116 = vector.extract_strided_slice %dot_general3A_15 {offsets = [10, 64], sizes = [1, 32], strides = [1, 1]} : vector<16x128xf32> to vector<1x32xf32>
    %slice3A_117 = vector.extract_strided_slice %dot_general3A_15 {offsets = [11, 64], sizes = [1, 32], strides = [1, 1]} : vector<16x128xf32> to vector<1x32xf32>
    %slice3A_118 = vector.extract_strided_slice %dot_general3A_15 {offsets = [12, 96], sizes = [1, 32], strides = [1, 1]} : vector<16x128xf32> to vector<1x32xf32>
    %slice3A_119 = vector.extract_strided_slice %dot_general3A_15 {offsets = [13, 96], sizes = [1, 32], strides = [1, 1]} : vector<16x128xf32> to vector<1x32xf32>
    %slice3A_120 = vector.extract_strided_slice %dot_general3A_15 {offsets = [14, 96], sizes = [1, 32], strides = [1, 1]} : vector<16x128xf32> to vector<1x32xf32>
    %slice3A_121 = vector.extract_strided_slice %dot_general3A_15 {offsets = [15, 96], sizes = [1, 32], strides = [1, 1]} : vector<16x128xf32> to vector<1x32xf32>
    %concatenate3A_122 = tpu.concatenate %slice3A_106, %slice3A_107, %slice3A_108, %slice3A_109, %slice3A_110, %slice3A_111, %slice3A_112, %slice3A_113, %slice3A_114, %slice3A_115, %slice3A_116, %slice3A_117, %slice3A_118, %slice3A_119, %slice3A_120, %slice3A_121 in 1 : vector<1x32xf32>, vector<1x32xf32>, vector<1x32xf32>, vector<1x32xf32>, vector<1x32xf32>, vector<1x32xf32>, vector<1x32xf32>, vector<1x32xf32>, vector<1x32xf32>, vector<1x32xf32>, vector<1x32xf32>, vector<1x32xf32>, vector<1x32xf32>, vector<1x32xf32>, vector<1x32xf32>, vector<1x32xf32> -> vector<1x512xf32>
    %concatenate3A_123 = tpu.concatenate %get3A_1, %get3A_1, %get3A_1, %get3A_1 in 1 : vector<1024x128xf32>, vector<1024x128xf32>, vector<1024x128xf32>, vector<1024x128xf32> -> vector<1024x512xf32>
    %mul3A = arith.constant 2.000000e+00 : f32
    %mul3A_124 = vector.broadcast %mul3A : f32 to vector<1x512xf32>
    %mul3A_125 = arith.mulf %mul3A_124, %concatenate3A_122 : vector<1x512xf32>
    %sub3A_126 = vector.broadcast %mul3A_125 : vector<1x512xf32> to vector<1024x512xf32>
    %sub3A_127 = arith.subf %sub3A_126, %dot_general3A_105 : vector<1024x512xf32>
    %mul3A_128 = arith.mulf %concatenate3A_123, %sub3A_127 : vector<1024x512xf32>
    %iota3A_129 = tpu.iota {dimensions = array<i32: 0>} : vector<512x4xi32>
    %iota3A_130 = tpu.iota {dimensions = array<i32: 1>} : vector<512x4xi32>
    %jit3A_131 = arith.constant 128 : i32
    %div3A_132 = vector.broadcast %jit3A_131 : i32 to vector<512x4xi32>
    %div3A_133 = arith.divsi %iota3A_129, %div3A_132 : vector<512x4xi32>
    %sign3A_134 = arith.constant 0 : i32
    %sign3A_135 = vector.broadcast %sign3A_134 : i32 to vector<512x4xi32>
    %sign3A_136 = arith.cmpi sgt, %iota3A_129, %sign3A_135 : vector<512x4xi32>
    %sign3A_137 = arith.extui %sign3A_136 : vector<512x4xi1> to vector<512x4xi32>
    %sign3A_138 = arith.constant 0 : i32
    %sign3A_139 = vector.broadcast %sign3A_138 : i32 to vector<512x4xi32>
    %sign3A_140 = arith.cmpi slt, %iota3A_129, %sign3A_139 : vector<512x4xi32>
    %sign3A_141 = arith.extui %sign3A_140 : vector<512x4xi1> to vector<512x4xi32>
    %sign3A_142 = arith.subi %sign3A_137, %sign3A_141 : vector<512x4xi32>
    %sign3A_143 = arith.constant 0 : i32
    %sign3A_144 = arith.cmpi sgt, %jit3A_131, %sign3A_143 : i32
    %sign3A_145 = arith.extui %sign3A_144 : i1 to i32
    %sign3A_146 = arith.constant 0 : i32
    %sign3A_147 = arith.cmpi slt, %jit3A_131, %sign3A_146 : i32
    %sign3A_148 = arith.extui %sign3A_147 : i1 to i32
    %sign3A_149 = arith.subi %sign3A_145, %sign3A_148 : i32
    %ne3A_150 = vector.broadcast %sign3A_149 : i32 to vector<512x4xi32>
    %ne3A_151 = arith.cmpi ne, %sign3A_142, %ne3A_150 : vector<512x4xi32>
    %rem3A_152 = vector.broadcast %jit3A_131 : i32 to vector<512x4xi32>
    %rem3A_153 = arith.remsi %iota3A_129, %rem3A_152 : vector<512x4xi32>
    %ne3A_154 = arith.constant 0 : i32
    %ne3A_155 = vector.broadcast %ne3A_154 : i32 to vector<512x4xi32>
    %ne3A_156 = arith.cmpi ne, %rem3A_153, %ne3A_155 : vector<512x4xi32>
    %and3A_157 = arith.andi %ne3A_151, %ne3A_156 : vector<512x4xi1>
    %sub3A_158 = arith.constant 1 : i32
    %sub3A_159 = vector.broadcast %sub3A_158 : i32 to vector<512x4xi32>
    %sub3A_160 = arith.subi %div3A_133, %sub3A_159 : vector<512x4xi32>
    %select_n3A_161 = arith.select %and3A_157, %sub3A_160, %div3A_133 : vector<512x4xi1>, vector<512x4xi32>
    %eq3A_162 = arith.cmpi eq, %select_n3A_161, %iota3A_130 : vector<512x4xi32>
    %jit3A_163 = arith.constant 1.000000e+00 : f32
    %jit3A_164 = arith.constant 0.000000e+00 : f32
    %broadcast_in_dim3A_165 = vector.broadcast %jit3A_163 : f32 to vector<512x4xf32>
    %broadcast_in_dim3A_166 = vector.broadcast %jit3A_164 : f32 to vector<512x4xf32>
    %select_n3A_167 = arith.select %eq3A_162, %broadcast_in_dim3A_165, %broadcast_in_dim3A_166 : vector<512x4xi1>, vector<512x4xf32>
    %dot_general3A_168 = arith.constant dense<0.000000e+00> : vector<4x1024xf32>
    %dot_general3A_169 = tpu.matmul %select_n3A_167, %mul3A_128, %dot_general3A_168 {dimension_numbers = #tpu.dot_dimension_numbers<[0], [1], [1], [0], [0, 1, 1, 0], [], []>, precision = #tpu.contract_precision<fp32>, transpose_lhs_hint = false} : vector<512x4xf32>, vector<1024x512xf32>, vector<4x1024xf32> -> vector<4x1024xf32>
    %reshape3A_170 = vector.shape_cast %dot_general3A_169 : vector<4x1024xf32> to vector<4x8x128xf32>
    %swap3A = arith.constant 0 : index
    %swap3A_171 = arith.constant 0 : index
    %swap3A_172 = arith.constant 0 : index
    %swap3A_173 = vector.load %arg3[%swap3A, %swap3A_171, %swap3A_172] : memref<4x8x128xf32, #tpu.memory_space<vmem>>, vector<4x8x128xf32>
    tpu.vector_store %arg3[%swap3A, %swap3A_171, %swap3A_172], %reshape3A_170 {strides = array<i32>} : memref<4x8x128xf32, #tpu.memory_space<vmem>>, vector<4x8x128xf32>,
    return
  }
}

module attributes {stable_mosaic.version = 14 : i64} {
  func.func @_select_kernel(%arg0: memref<4x32x32x32xf32, #tpu.memory_space<vmem>>, %arg1: memref<4x4x32x32xf32, #tpu.memory_space<vmem>>, %arg2: memref<8x128xf32, #tpu.memory_space<vmem>>, %arg3: memref<8x128xi32, #tpu.memory_space<vmem>>, %arg4: memref<4x4x32x32xf32, #tpu.memory_space<vmem>>, %arg5: memref<4xi32, #tpu.memory_space<smem>>, %arg6: memref<f32, #tpu.memory_space<smem>>) attributes {dimension_semantics = [], scalar_prefetch = 0 : i64, scratch_operands = 0 : i64, tpu.core_type = #tpu.core_type<tc>} {
    %get3A = arith.constant 0 : index
    %get3A_0 = arith.constant 0 : index
    %get3A_1 = arith.constant 0 : index
    %get3A_2 = arith.constant 0 : index
    %get3A_3 = vector.load %arg0[%get3A, %get3A_0, %get3A_1, %get3A_2] : memref<4x32x32x32xf32, #tpu.memory_space<vmem>>, vector<4x32x32x32xf32>
    %reshape3A = vector.shape_cast %get3A_3 : vector<4x32x32x32xf32> to vector<128x1024xf32>
    %get3A_4 = arith.constant 0 : index
    %get3A_5 = arith.constant 0 : index
    %get3A_6 = arith.constant 0 : index
    %get3A_7 = arith.constant 0 : index
    %get3A_8 = vector.load %arg1[%get3A_4, %get3A_5, %get3A_6, %get3A_7] : memref<4x4x32x32xf32, #tpu.memory_space<vmem>>, vector<4x4x32x32xf32>
    %reshape3A_9 = vector.shape_cast %get3A_8 : vector<4x4x32x32xf32> to vector<16x1024xf32>
    %broadcast_in_dim3A = arith.constant 0.000000e+00 : f32
    %broadcast_in_dim3A_10 = vector.broadcast %broadcast_in_dim3A : f32 to vector<4x128xf32>
    %get3A_11 = arith.constant 0 : index
    %get3A_12 = arith.constant 0 : index
    %get3A_13 = vector.load %arg2[%get3A_11, %get3A_12] : memref<8x128xf32, #tpu.memory_space<vmem>>, vector<1x128xf32>
    %slice3A = vector.extract_strided_slice %get3A_13 {offsets = [0, 0], sizes = [1, 32], strides = [1, 1]} : vector<1x128xf32> to vector<1x32xf32>
    %slice3A_14 = vector.extract_strided_slice %get3A_13 {offsets = [0, 32], sizes = [1, 32], strides = [1, 1]} : vector<1x128xf32> to vector<1x32xf32>
    %slice3A_15 = vector.extract_strided_slice %get3A_13 {offsets = [0, 64], sizes = [1, 32], strides = [1, 1]} : vector<1x128xf32> to vector<1x32xf32>
    %slice3A_16 = vector.extract_strided_slice %get3A_13 {offsets = [0, 96], sizes = [1, 32], strides = [1, 1]} : vector<1x128xf32> to vector<1x32xf32>
    %concatenate3A = tpu.concatenate %slice3A, %slice3A_14, %slice3A_15, %slice3A_16 in 0 : vector<1x32xf32>, vector<1x32xf32>, vector<1x32xf32>, vector<1x32xf32> -> vector<4x32xf32>
    %slice3A_17 = vector.extract_strided_slice %broadcast_in_dim3A_10 {offsets = [0, 32], sizes = [4, 96], strides = [1, 1]} : vector<4x128xf32> to vector<4x96xf32>
    %concatenate3A_18 = tpu.concatenate %concatenate3A, %slice3A_17 in 1 : vector<4x32xf32>, vector<4x96xf32> -> vector<4x128xf32>
    %get3A_19 = arith.constant 0 : index
    %get3A_20 = arith.constant 0 : index
    %get3A_21 = vector.load %arg3[%get3A_19, %get3A_20] : memref<8x128xi32, #tpu.memory_space<vmem>>, vector<1x1xi32>
    %get3A_22 = vector.extract %get3A_21[0, 0] : i32 from vector<1x1xi32>
    %swap3A = arith.constant 0 : index
    %swap3A_23 = memref.load %arg5[%swap3A] : memref<4xi32, #tpu.memory_space<smem>>
    memref.store %get3A_22, %arg5[%swap3A] : memref<4xi32, #tpu.memory_space<smem>>
    %get3A_24 = arith.constant 1 : index
    %get3A_25 = arith.constant 0 : index
    %get3A_26 = vector.load %arg2[%get3A_24, %get3A_25] : memref<8x128xf32, #tpu.memory_space<vmem>>, vector<1x128xf32>
    %slice3A_27 = vector.extract_strided_slice %get3A_26 {offsets = [0, 0], sizes = [1, 32], strides = [1, 1]} : vector<1x128xf32> to vector<1x32xf32>
    %slice3A_28 = vector.extract_strided_slice %get3A_26 {offsets = [0, 32], sizes = [1, 32], strides = [1, 1]} : vector<1x128xf32> to vector<1x32xf32>
    %slice3A_29 = vector.extract_strided_slice %get3A_26 {offsets = [0, 64], sizes = [1, 32], strides = [1, 1]} : vector<1x128xf32> to vector<1x32xf32>
    %slice3A_30 = vector.extract_strided_slice %get3A_26 {offsets = [0, 96], sizes = [1, 32], strides = [1, 1]} : vector<1x128xf32> to vector<1x32xf32>
    %concatenate3A_31 = tpu.concatenate %slice3A_27, %slice3A_28, %slice3A_29, %slice3A_30 in 0 : vector<1x32xf32>, vector<1x32xf32>, vector<1x32xf32>, vector<1x32xf32> -> vector<4x32xf32>
    %slice3A_32 = vector.extract_strided_slice %broadcast_in_dim3A_10 {offsets = [0, 0], sizes = [4, 32], strides = [1, 1]} : vector<4x128xf32> to vector<4x32xf32>
    %slice3A_33 = vector.extract_strided_slice %broadcast_in_dim3A_10 {offsets = [0, 64], sizes = [4, 64], strides = [1, 1]} : vector<4x128xf32> to vector<4x64xf32>
    %concatenate3A_34 = tpu.concatenate %slice3A_32, %concatenate3A_31, %slice3A_33 in 1 : vector<4x32xf32>, vector<4x32xf32>, vector<4x64xf32> -> vector<4x128xf32>
    %get3A_35 = arith.constant 1 : index
    %get3A_36 = arith.constant 0 : index
    %get3A_37 = vector.load %arg3[%get3A_35, %get3A_36] : memref<8x128xi32, #tpu.memory_space<vmem>>, vector<1x1xi32>
    %get3A_38 = vector.extract %get3A_37[0, 0] : i32 from vector<1x1xi32>
    %swap3A_39 = arith.constant 1 : index
    %swap3A_40 = memref.load %arg5[%swap3A_39] : memref<4xi32, #tpu.memory_space<smem>>
    memref.store %get3A_38, %arg5[%swap3A_39] : memref<4xi32, #tpu.memory_space<smem>>
    %get3A_41 = arith.constant 2 : index
    %get3A_42 = arith.constant 0 : index
    %get3A_43 = vector.load %arg2[%get3A_41, %get3A_42] : memref<8x128xf32, #tpu.memory_space<vmem>>, vector<1x128xf32>
    %slice3A_44 = vector.extract_strided_slice %get3A_43 {offsets = [0, 0], sizes = [1, 32], strides = [1, 1]} : vector<1x128xf32> to vector<1x32xf32>
    %slice3A_45 = vector.extract_strided_slice %get3A_43 {offsets = [0, 32], sizes = [1, 32], strides = [1, 1]} : vector<1x128xf32> to vector<1x32xf32>
    %slice3A_46 = vector.extract_strided_slice %get3A_43 {offsets = [0, 64], sizes = [1, 32], strides = [1, 1]} : vector<1x128xf32> to vector<1x32xf32>
    %slice3A_47 = vector.extract_strided_slice %get3A_43 {offsets = [0, 96], sizes = [1, 32], strides = [1, 1]} : vector<1x128xf32> to vector<1x32xf32>
    %concatenate3A_48 = tpu.concatenate %slice3A_44, %slice3A_45, %slice3A_46, %slice3A_47 in 0 : vector<1x32xf32>, vector<1x32xf32>, vector<1x32xf32>, vector<1x32xf32> -> vector<4x32xf32>
    %slice3A_49 = vector.extract_strided_slice %broadcast_in_dim3A_10 {offsets = [0, 0], sizes = [4, 64], strides = [1, 1]} : vector<4x128xf32> to vector<4x64xf32>
    %slice3A_50 = vector.extract_strided_slice %broadcast_in_dim3A_10 {offsets = [0, 96], sizes = [4, 32], strides = [1, 1]} : vector<4x128xf32> to vector<4x32xf32>
    %concatenate3A_51 = tpu.concatenate %slice3A_49, %concatenate3A_48, %slice3A_50 in 1 : vector<4x64xf32>, vector<4x32xf32>, vector<4x32xf32> -> vector<4x128xf32>
    %get3A_52 = arith.constant 2 : index
    %get3A_53 = arith.constant 0 : index
    %get3A_54 = vector.load %arg3[%get3A_52, %get3A_53] : memref<8x128xi32, #tpu.memory_space<vmem>>, vector<1x1xi32>
    %get3A_55 = vector.extract %get3A_54[0, 0] : i32 from vector<1x1xi32>
    %swap3A_56 = arith.constant 2 : index
    %swap3A_57 = memref.load %arg5[%swap3A_56] : memref<4xi32, #tpu.memory_space<smem>>
    memref.store %get3A_55, %arg5[%swap3A_56] : memref<4xi32, #tpu.memory_space<smem>>
    %get3A_58 = arith.constant 3 : index
    %get3A_59 = arith.constant 0 : index
    %get3A_60 = vector.load %arg2[%get3A_58, %get3A_59] : memref<8x128xf32, #tpu.memory_space<vmem>>, vector<1x128xf32>
    %slice3A_61 = vector.extract_strided_slice %get3A_60 {offsets = [0, 0], sizes = [1, 32], strides = [1, 1]} : vector<1x128xf32> to vector<1x32xf32>
    %slice3A_62 = vector.extract_strided_slice %get3A_60 {offsets = [0, 32], sizes = [1, 32], strides = [1, 1]} : vector<1x128xf32> to vector<1x32xf32>
    %slice3A_63 = vector.extract_strided_slice %get3A_60 {offsets = [0, 64], sizes = [1, 32], strides = [1, 1]} : vector<1x128xf32> to vector<1x32xf32>
    %slice3A_64 = vector.extract_strided_slice %get3A_60 {offsets = [0, 96], sizes = [1, 32], strides = [1, 1]} : vector<1x128xf32> to vector<1x32xf32>
    %concatenate3A_65 = tpu.concatenate %slice3A_61, %slice3A_62, %slice3A_63, %slice3A_64 in 0 : vector<1x32xf32>, vector<1x32xf32>, vector<1x32xf32>, vector<1x32xf32> -> vector<4x32xf32>
    %slice3A_66 = vector.extract_strided_slice %broadcast_in_dim3A_10 {offsets = [0, 0], sizes = [4, 96], strides = [1, 1]} : vector<4x128xf32> to vector<4x96xf32>
    %concatenate3A_67 = tpu.concatenate %slice3A_66, %concatenate3A_65 in 1 : vector<4x96xf32>, vector<4x32xf32> -> vector<4x128xf32>
    %get3A_68 = arith.constant 3 : index
    %get3A_69 = arith.constant 0 : index
    %get3A_70 = vector.load %arg3[%get3A_68, %get3A_69] : memref<8x128xi32, #tpu.memory_space<vmem>>, vector<1x1xi32>
    %get3A_71 = vector.extract %get3A_70[0, 0] : i32 from vector<1x1xi32>
    %swap3A_72 = arith.constant 3 : index
    %swap3A_73 = memref.load %arg5[%swap3A_72] : memref<4xi32, #tpu.memory_space<smem>>
    memref.store %get3A_71, %arg5[%swap3A_72] : memref<4xi32, #tpu.memory_space<smem>>
    %concatenate3A_74 = tpu.concatenate %concatenate3A_18, %concatenate3A_34, %concatenate3A_51, %concatenate3A_67 in 0 : vector<4x128xf32>, vector<4x128xf32>, vector<4x128xf32>, vector<4x128xf32> -> vector<16x128xf32>
    %dot_general3A = arith.constant dense<0.000000e+00> : vector<16x1024xf32>
    %dot_general3A_75 = tpu.matmul %concatenate3A_74, %reshape3A, %dot_general3A {dimension_numbers = #tpu.dot_dimension_numbers<[1], [0], [0], [1], [0, 0, 1, 1], [], []>, precision = #tpu.contract_precision<fp32>, transpose_lhs_hint = false} : vector<16x128xf32>, vector<128x1024xf32>, vector<16x1024xf32> -> vector<16x1024xf32>
    %reshape3A_76 = vector.shape_cast %dot_general3A_75 : vector<16x1024xf32> to vector<4x4x32x32xf32>
    %swap3A_77 = arith.constant 0 : index
    %swap3A_78 = arith.constant 0 : index
    %swap3A_79 = arith.constant 0 : index
    %swap3A_80 = arith.constant 0 : index
    %swap3A_81 = vector.load %arg4[%swap3A_77, %swap3A_78, %swap3A_79, %swap3A_80] : memref<4x4x32x32xf32, #tpu.memory_space<vmem>>, vector<4x4x32x32xf32>
    tpu.vector_store %arg4[%swap3A_77, %swap3A_78, %swap3A_79, %swap3A_80], %reshape3A_76 {strides = array<i32>} : memref<4x4x32x32xf32, #tpu.memory_space<vmem>>, vector<4x4x32x32xf32>,
    %sub3A = arith.subf %dot_general3A_75, %reshape3A_9 : vector<16x1024xf32>
    %integer_pow3A = arith.mulf %sub3A, %sub3A : vector<16x1024xf32>
    %reduce_sum3A = vector.shape_cast %integer_pow3A : vector<16x1024xf32> to vector<1x16x1024xf32>
    %reduce_sum3A_82 = arith.constant dense<0.000000e+00> : vector<1xf32>
    %reduce_sum3A_83 = vector.multi_reduction <add>, %reduce_sum3A, %reduce_sum3A_82 [1, 2] : vector<1x16x1024xf32> to vector<1xf32>
    %reduce_sum3A_84 = vector.shape_cast %reduce_sum3A_83 : vector<1xf32> to vector<1x1x1xf32>
    %reduce_sum3A_85 = vector.extract %reduce_sum3A_84[0, 0, 0] : f32 from vector<1x1x1xf32>
    %div3A = arith.constant 1.638400e+04 : f32
    %div3A_86 = arith.divf %reduce_sum3A_85, %div3A : f32
    %swap3A_87 = memref.load %arg6[] : memref<f32, #tpu.memory_space<smem>>
    memref.store %div3A_86, %arg6[] : memref<f32, #tpu.memory_space<smem>>
    return
  }
}

</mosaic_0001>

<sc_bundles>
// kernel: kernel.5.cloned.1.call-start
scs
__scs_entry_jumppad:
0x0: {  	(pc) =	sbr.rel $0x88, $3  }
0x1: {  	(tag) =	ssettag $0x0;
	lr =	simm.s32 $0x1  }
0x2: {  	[smem:$0x3F9E] =	sst lr;
	_ =	strace $0xD0000000  }
0x3: {  	_ = 	snop  }
0x4: {  	_ = 	snop  }
0x5: {  	_ = 	snop  }
0x6: {  	_ = 	snop  }
0x7: {  	_ = 	snop  }
__scs_overlays_trampoline_lowered:
0x8: {  	[smem:$0x3FAD] =	sst s0  }
0x9: {  	[smem:$0x3FAE] =	sst s1  }
0xa: {  	[smem:$0x3FAF] =	sst s2  }
0xb: {  	[smem:$0x3FB0] =	sst s3  }
0xc: {  	[smem:$0x3FB1] =	sst s4  }
0xd: {  	[smem:$0x3FB2] =	sst s5  }
0xe: {  	[smem:$0x3FB3] =	sst s6  }
0xf: {  	[smem:$0x3FB4] =	sst s7  }
0x10: {  	[smem:$0x3FB5] =	sst s8  }
0x11: {  	[smem:$0x3FB6] =	sst s9;
	s0 =	simm.s32 @!p0 $0x0  }
0x12: {  	s1 =	sld [smem:$0x3F9C];
	s0 =	simm.s32 @p0 $0x1  }
0x13: {  	[smem:$0x3FB7] =	sst s0;
	s0 =	simm.s32 @!p1 $0x0  }
0x14: {  	s2 =	sld [smem:$0x3F9B];
	s0 =	simm.s32 @p1 $0x1  }
0x15: {  	[smem:$0x3FB8] =	sst s0;
	s0 =	simm.s32 @!p2 $0x0  }
0x16: {  	s3 =	sld [smem:$0x3FDB];
	s0 =	simm.s32 @p2 $0x1  }
0x17: {  	s4 =	simm.s32 $0x1BF5;
	[smem:$0x3FBA] =	sst s0  }
0x18: {  	s0 =	sld [smem:$0x3F9D];
	_ =	swait.ge [sflag:s4], $0x0  }
0x19: {  	s7 =	sld [smem:$0x3F9E]  }
0x1a: {  	s8 =	sadd.s32 $0xFFFFE003, lr  }
0x1b: {  	s9 =	sadd.s32 $0xFFFFFEF7, lr;
	s5 =	simm.s32 $0xFFFFFFFF;
	p2 =	slt.u32 s8, $0xFFFFF086  }
0x1c: {  	p1 =	slt.u32 s9, $0xF7A;
	s5 =	simm.s32 @!p2 $0x0  }
0x1d: {  	s5 =	simm.s32 @p1 $0x1;
	p0 =	seq.s32 s7, s2  }
0x1e: {  	s7 =	smul.u32 @!p0 $0xF7A, s2;
	p2 =	seq.s32 @!p0 s5, $0x0  }
0x1f: {  	s9 =	smul.u32 $0xF7A, s1;
	s8 =	simm.s32 @!p0 $0x1BF5;
	p2 =	por !p2, p0  }
0x20: {  	[sflag:s8] =	ssyncset.s32 @!p0 $0xFFFFF086;
	s6 =	sadd.s32 @!p0 s3, s7;
	s7 =	simm.s32 @!p0 $0x108  }
0x21: {  	s3 =	sadd.s32 s3, s9;
	s6 =	sadd.s32 @!p0 $0x88, s6;
	s7 =	simm.s32 @p2 $0x1082  }
0x22: {  	[simem:s7], [sflag:s8] =	dma.local @!p0 [hbm:s6], $0xF7A  }
0x23: {  	s9 =	sor.u32 $0xD0000000, s2;
	s6 =	simm.s32 $0x108;
	_ =	swait.ge @!p0 [sflag:s8], $0x0  }
0x24: {  	s3 =	sadd.s32 $0x88, s3;
	s6 =	simm.s32 @!p1 $0x1082;
	[sflag:s4] =	ssyncset.s32 $0xFFFFF086  }
0x25: {  	[simem:s6], [sflag:s4] =	dma.local [hbm:s3], $0xF7A  }
0x26: {  	[smem:$0x3F9E] =	sst s1;
	(tag) =	ssettag s2;
	_ =	strace s9  }
0x27: {  	s1 =	sld [smem:$0x3FAE]  }
0x28: {  	s2 =	sld [smem:$0x3FAF]  }
0x29: {  	s4 =	sld [smem:$0x3FB1]  }
0x2a: {  	p0 =	seq.s32 s5, $0x0;
	s5 =	sld [smem:$0x3FB2]  }
0x2b: {  	s6 =	sld [smem:$0x3FB3]  }
0x2c: {  	s7 =	sld [smem:$0x3FB4]  }
0x2d: {  	s3 =	simm.s32 $0x108;
	s8 =	sld [smem:$0x3FB5]  }
0x2e: {  	s3 =	simm.s32 @!p0 $0x1082;
	s9 =	sld [smem:$0x3FB6]  }
0x2f: {  	lr =	sadd.s32 s0, s3;
	s0 =	sld [smem:$0x3FAD]  }
0x30: {  	s3 =	sld [smem:$0x3FB0]  }
0x31: {  	[smem:$0x3FB9] =	sst s10  }
0x32: {  	s10 =	sld [smem:$0x3FB7];
	_ =	sdelay $0x3  }
0x33: {  	p0 =	seq.s32 s10, $0x1;
	s10 =	sld [smem:$0x3FB9];
	_ =	sdelay $0x3  }
0x34: {  	[smem:$0x3FB9] =	sst s10  }
0x35: {  	s10 =	sld [smem:$0x3FB8];
	_ =	sdelay $0x3  }
0x36: {  	p1 =	seq.s32 s10, $0x1;
	s10 =	sld [smem:$0x3FB9];
	_ =	sdelay $0x3  }
0x37: {  	[smem:$0x3FB9] =	sst s10  }
0x38: {  	s10 =	sld [smem:$0x3FBA]  }
0x39: {  	_ = 	snop;
	(pc) =	sbr.ind lr, $3  }
0x3a: {  	_ = 	snop  }
0x3b: {  	_ = 	snop  }
0x3c: {  	p2 =	seq.s32 s10, $0x1;
	s10 =	sld [smem:$0x3FB9]  }
0x3d: {  	_ =	shalt  }
0x3e: {  	_ =	shalt  }
0x3f: {  	_ =	shalt  }
0x40: {  	_ =	shalt  }
0x41: {  	_ =	shalt  }
0x42: {  	_ =	shalt  }
0x43: {  	_ =	shalt  }
0x44: {  	_ =	shalt  }
0x45: {  	_ =	shalt  }
0x46: {  	_ =	shalt  }
0x47: {  	_ =	shalt  }
0x48: {  	_ =	shalt  }
0x49: {  	_ =	shalt  }
0x4a: {  	_ =	shalt  }
0x4b: {  	_ =	shalt  }
0x4c: {  	_ =	shalt  }
0x4d: {  	_ =	shalt  }
0x4e: {  	_ =	shalt  }
0x4f: {  	_ =	shalt  }
0x50: {  	_ =	shalt  }
0x51: {  	_ =	shalt  }
0x52: {  	_ =	shalt  }
0x53: {  	_ =	shalt  }
0x54: {  	_ =	shalt  }
0x55: {  	_ =	shalt  }
0x56: {  	_ =	shalt  }
0x57: {  	_ =	shalt  }
0x58: {  	_ =	shalt  }
0x59: {  	_ =	shalt  }
0x5a: {  	_ =	shalt  }
0x5b: {  	_ =	shalt  }
0x5c: {  	_ =	shalt  }
0x5d: {  	_ =	shalt  }
0x5e: {  	_ =	shalt  }
0x5f: {  	_ =	shalt  }
0x60: {  	_ =	shalt  }
0x61: {  	_ =	shalt  }
0x62: {  	_ =	shalt  }
0x63: {  	_ =	shalt  }
0x64: {  	_ =	shalt  }
0x65: {  	_ =	shalt  }
0x66: {  	_ =	shalt  }
0x67: {  	_ =	shalt  }
0x68: {  	_ =	shalt  }
0x69: {  	_ =	shalt  }
0x6a: {  	_ =	shalt  }
0x6b: {  	_ =	shalt  }
0x6c: {  	_ =	shalt  }
0x6d: {  	_ =	shalt  }
0x6e: {  	_ =	shalt  }
0x6f: {  	_ =	shalt  }
0x70: {  	_ =	shalt  }
0x71: {  	_ =	shalt  }
0x72: {  	_ =	shalt  }
0x73: {  	_ =	shalt  }
0x74: {  	_ =	shalt  }
0x75: {  	_ =	shalt  }
0x76: {  	_ =	shalt  }
0x77: {  	_ =	shalt  }
0x78: {  	_ =	shalt  }
0x79: {  	_ =	shalt  }
0x7a: {  	_ =	shalt  }
0x7b: {  	_ =	shalt  }
0x7c: {  	_ =	shalt  }
0x7d: {  	_ =	shalt  }
0x7e: {  	_ =	shalt  }
0x7f: {  	_ =	shalt  }
0x80: {  	_ =	shalt  }
0x81: {  	_ =	shalt  }
0x82: {  	_ =	shalt  }
0x83: {  	_ =	shalt  }
0x84: {  	_ =	shalt  }
0x85: {  	_ =	shalt  }
0x86: {  	_ =	shalt  }
0x87: {  	_ =	shalt  }
.Lfunc_end0:
.L_simem_size_0:
called_computation_lowered:
.L_overlay_start_0:
0x88: {  	s0 =	sld [smem:$0x3FD9]  }
0x89: {  	s1 =	sld [smem:$0x3FFE];
	_ =	sdelay $0x3  }
0x8a: {  	s0 =	sadd.s32 s1, s0  }
0x8b: {  	[smem:$0x3FC5] =	sst s0  }
0x8c: {  	_ = 	snop  }
0x8d: {  	s0 =	sld [smem:$0x3FD0];
	_ =	sdelay $0x2  }
0x8e: {  	s13 =	simm.s32 $0xA;
	s2 =	simm.s32 $0x10  }
0x8f: {  	[smem:s2], [sflag:s13] =	dma.local [hbm:s0], $0x1  }
0x90: {  	_ =	swait.eq [sflag:s13], $0x1  }
0x91: {  	[sflag:s13] =	ssyncset.done $0x0  }
0x92: {  	[sflag:s13] =	ssyncadd.s32 $0xFFFFFFFF  }
0x93: {  	s14 =	sld [smem:$0x10];
	(tm) =	ssettm $0x1  }
0x94: {  	s15 =	sld [smem:$0x3FFB];
	_ =	sdelay $0x3  }
0x95: {  	_ =	strace s15  }
0x96: {  	s1 =	sld [smem:$0x3FFC];
	_ =	sdelay $0x3  }
0x97: {  	_ =	strace s1  }
0x98: {  	s1 =	sld [smem:$0x3FFD];
	_ =	sdelay $0x3  }
0x99: {  	_ =	strace s1  }
0x9a: {  	_ =	strace $0x8FFFFFFF  }
0x9b: {  	s16 =	sld [smem:$0x3FDB];
	_ =	sdelay $0x1  }
0x9c: {  	s17 =	simm.s32 $_scs_section_size  }
0x9d: {  	s3 =	simm.s32 $_size__tile_overlayer_lowered;
	s4 =	simm.s32 $_tile_overlayer_lowered  }
0x9e: {  	s20 =	simm.s32 $0x1BFF;
	s19 =	sshll.u32 s4, $0x1;
	s1 =	sadd.s32 s17, s16  }
0x9f: {  	s5 =	simm.s32 $0x0;
	s18 =	sshll.u32 s3, $0x1;
	s3 =	sadd.s32 s19, s1  }
0xa0: {  	[timem:s5], [sflag:s20] =	dma.local [hbm:s3], s18  }
0xa1: {  	_ =	swait.ge [sflag:s20], s18  }
0xa2: {  	s2 =	ssub.s32 $0x0, s18;
	[sflag:s20] =	ssyncset.done $0x0  }
0xa3: {  	[sflag:s20] =	ssyncadd.s32 s2;
	_ =	sdelay $0x1  }
0xa4: {  	s21 =	simm.s32 $0x1B8B  }
0xa5: {  	_ =	swait.ge [sflag:s21], $0x1  }
0xa6: {  	[sflag:s21] =	ssyncset.done $0x0  }
0xa7: {  	s23 =	simm.s32 $0x1B8E;
	s22 =	sld [smem:$0x3FFE];
	[sflag:s21] =	ssyncadd.s32 $0xFFFFFFFF  }
0xa8: {  	s24 =	simm.s32 $execute0_lowered;
	[smem:$0x3FD2] =	sst s23  }
0xa9: {  	s3 =	sshll.u32 s24, $0x1;
	_ =	strace $0x80000046;
	[dreg:$0x1] =	wrdreg $0xFFFFFFFF  }
0xaa: {  	s25 =	simm.s32 $_size_execute0_lowered;
	s1 =	sadd.s32 s1, s3;
	[dreg:$0x0] =	wrdreg $0x0  }
0xab: {  	s3 =	sshll.u32 s25, $0x1;
	[dreg:$0x2] =	wrdreg s1  }
0xac: {  	[dreg:$0x3] =	wrdreg s3  }
0xad: {  	[dreg:$0x4] =	wrdreg $0xC0  }
0xae: {  	_ =	task [dreg:s5], $0x5FFFF  }
0xaf: {  	[dreg:$0x1] =	wrdreg $0xFFFFFFFF  }
0xb0: {  	[dreg:$0x0] =	wrdreg $0x60  }
0xb1: {  	[dreg:$0x2] =	wrdreg s14  }
0xb2: {  	[dreg:$0x3] =	wrdreg s22  }
0xb3: {  	[dreg:$0x4] =	wrdreg $0x9  }
0xb4: {  	_ =	task.clear_ibuf [dreg:s5], $0x5FFFF;
	_ =	strace $0x90000046  }
0xb5: {  	s26 =	simm.s32 $0x9;
	_ =	strace $0x80000048  }
0xb6: {  	_ =	swait.ge [sflag:s26], $0x1  }
0xb7: {  	[sflag:s26] =	ssyncadd.s32 $0xFFFFFFFF  }
0xb8: {  	_ =	strace $0x90000048  }
0xb9: {  	_ =	sfence  }
0xba: {  	s28 =	sld [smem:$0x0];
	_ =	sdelay $0x1  }
0xbb: {  	s29 =	srdreg.scid  }
0xbc: {  	s30 =	sshll.u32 s29, $0xD;
	s31 =	sshrl.u32 s29, $0x2  }
0xbd: {  	s2 =	sand.u32 $0x4000, s30;
	s1 =	sand.u32 $0x1, s29;
	s0 =	sadd.s32 s31, s28  }
0xbe: {  	s1 =	sor.u32 s2, s1;
	s0 =	sshll.u32 s0, $0x11  }
0xbf: {  	s0 =	sor.u32 s0, s1  }
0xc0: {  	s0 =	sadd.s32 $0x8F2B, s0  }
0xc1: {  	[sflag:s0] =	ssyncadd.remote.s32 $0x1  }
0xc2: {  	_ =	sfence.sel $0xFFFF  }
0xc3: {  	[dreg:$0x0] =	wrdreg $0xFFFFFFFF;
	(pc) =	sbr.abs _section_cstart, $3  }
0xc4: {  	[dreg:$0x1] =	wrdreg $0xFFFFFFFF  }
0xc5: {  	_ =	task.clear_ibuf [dreg:s5], $0x2FFFF;
	_ =	strace $0x9FFFFFFF  }
0xc6: {  	(tm) =	ssettm $0x7FFFFFFF  }
0xc7: {  	_ =	shalt  }
tec
execute0_lowered:
.L_overlay_start_1:
0x0: {  	(tag) =	ssettag $0x1  }
0x1: {  	s1 =	stileid.u32  }
0x2: {  	p0 =	sgt.u32 s1, $0x3  }
.Ltmp0:
0x3: {  	_ = 	snop;
	(pc) =	sbr.rel @p0 .LBB2_2-.Ltmp0, $4  }
0x4: {  	s4 =	rddreg [dreg:$0x0]  }
0x5: {  	s3 =	rddreg [dreg:$0x1];
	s2 =	simm.s32 $0x0  }
0x6: {  	[smem:$0x7FF] =	sst s2  }
0x7: {  	s0 =	rddreg [dreg:$0x2];
	_ =	strace $0x80000047  }
0x8: {  	s5 =	sshll.u32 s1, $0x7  }
0x9: {  	s24 =	simm.s32 $0x2;
	s4 =	sadd.s32 s4, s5  }
0xa: {  	[tilespmem:s2], [sflag:$0x2] =	stream.linear.gather [hbm4b:s4+s2], $0x400, $0x38;
	[tilespmem:$0xD00] =	vst v63  }
0xb: {  	_ =	swait.ge [sflag:s24], $0x400  }
0xc: {  	[sflag:s24] =	ssyncset.done $0x0  }
0xd: {  	[sflag:s24] =	ssyncadd.s32 $0xFFFFFC00  }
0xe: {  	v0 =	vld [tilespmem:$0x0];
	_ =	sdelay $0x2  }
0xf: {  	v1 =	vld [tilespmem:$0x10];
	_ =	sdelay $0x1  }
0x10: {  	v2 =	vld [tilespmem:$0x20];
	vm0 =	vlt.f32 v0, $-Inf;
	vm1 =	vgt.f32 v0, $-Inf  }
0x11: {  	vm2 =	vmor vm1, vm0  }
0x12: {  	v3 =	vld [tilespmem:$0x30];
	v0 =	vnsel vm2, $0xFF800000, v0  }
0x13: {  	vm1 =	vgt.f32 v1, v0  }
0x14: {  	v19 =	vld [tilespmem:$0x40];
	v0 =	vsel vm1, v1, v0  }
0x15: {  	vm15 =	vgt.f32 v2, v0  }
0x16: {  	v20 =	vld [tilespmem:$0x50];
	v0 =	vsel vm15, v2, v0  }
0x17: {  	vm3 =	vgt.f32 v3, v0  }
0x18: {  	v21 =	vld [tilespmem:$0x60];
	v0 =	vsel vm3, v3, v0  }
0x19: {  	vm8 =	vgt.f32 v19, v0  }
0x1a: {  	v22 =	vld [tilespmem:$0x70];
	v0 =	vsel vm8, v19, v0  }
0x1b: {  	vm4 =	vgt.f32 v20, v0  }
0x1c: {  	v23 =	vld [tilespmem:$0x80];
	v0 =	vsel vm4, v20, v0  }
0x1d: {  	vm6 =	vgt.f32 v21, v0  }
0x1e: {  	v24 =	vld [tilespmem:$0x90];
	v0 =	vsel vm6, v21, v0  }
0x1f: {  	vm5 =	vgt.f32 v22, v0  }
0x20: {  	v25 =	vld [tilespmem:$0xA0];
	v0 =	vsel vm5, v22, v0  }
0x21: {  	vm9 =	vgt.f32 v23, v0  }
0x22: {  	v26 =	vld [tilespmem:$0xB0];
	v0 =	vsel vm9, v23, v0  }
0x23: {  	vm7 =	vgt.f32 v24, v0  }
0x24: {  	v27 =	vld [tilespmem:$0xC0];
	v0 =	vsel vm7, v24, v0  }
0x25: {  	vm11 =	vgt.f32 v25, v0  }
0x26: {  	v28 =	vld [tilespmem:$0xD0];
	v0 =	vsel vm11, v25, v0  }
0x27: {  	vm10 =	vgt.f32 v26, v0  }
0x28: {  	v29 =	vld [tilespmem:$0xE0];
	v0 =	vsel vm10, v26, v0  }
0x29: {  	vm13 =	vgt.f32 v27, v0  }
0x2a: {  	v30 =	vld [tilespmem:$0xF0];
	v0 =	vsel vm13, v27, v0  }
0x2b: {  	vm12 =	vgt.f32 v28, v0  }
0x2c: {  	v31 =	vld [tilespmem:$0x100];
	v0 =	vsel vm12, v28, v0  }
0x2d: {  	vm14 =	vgt.f32 v29, v0  }
0x2e: {  	v32 =	vld [tilespmem:$0x110];
	v0 =	vsel vm14, v29, v0  }
0x2f: {  	vm0 =	vgt.f32 v30, v0  }
0x30: {  	v4 =	vimm.s32 $0x0;
	v33 =	vld [tilespmem:$0x120];
	v0 =	vsel vm0, v30, v0  }
0x31: {  	v4 =	vsel vm0, $0xFFFFFFFF, v4;
	vm0 =	vgt.f32 v31, v0  }
0x32: {  	v34 =	vimm.s32 $0x0;
	v35 =	vld [tilespmem:$0x130];
	v0 =	vsel vm0, v31, v0  }
0x33: {  	[tilespmem:$0x1FEE0] =	vst v4;
	v4 =	vsel vm0, $0xFFFFFFFF, v34;
	vm0 =	vgt.f32 v32, v0  }
0x34: {  	v36 =	vimm.s32 $0x0;
	v37 =	vld [tilespmem:$0x140];
	v0 =	vsel vm0, v32, v0  }
0x35: {  	[tilespmem:$0x1FEF0] =	vst v4;
	v4 =	vsel vm0, $0xFFFFFFFF, v36;
	vm0 =	vgt.f32 v33, v0  }
0x36: {  	v38 =	vimm.s32 $0x0;
	v39 =	vld [tilespmem:$0x150];
	v0 =	vsel vm0, v33, v0  }
0x37: {  	[tilespmem:$0x1FF00] =	vst v4;
	v4 =	vsel vm0, $0xFFFFFFFF, v38;
	vm0 =	vgt.f32 v35, v0  }
0x38: {  	v40 =	vimm.s32 $0x0;
	v41 =	vld [tilespmem:$0x160];
	v0 =	vsel vm0, v35, v0  }
0x39: {  	[tilespmem:$0x1FF10] =	vst v4;
	v4 =	vsel vm0, $0xFFFFFFFF, v40;
	vm0 =	vgt.f32 v37, v0  }
0x3a: {  	v42 =	vimm.s32 $0x0;
	v43 =	vld [tilespmem:$0x170];
	v0 =	vsel vm0, v37, v0  }
0x3b: {  	[tilespmem:$0x1FF20] =	vst v4;
	v4 =	vsel vm0, $0xFFFFFFFF, v42;
	vm0 =	vgt.f32 v39, v0  }
0x3c: {  	v44 =	vimm.s32 $0x0;
	v45 =	vld [tilespmem:$0x180];
	v0 =	vsel vm0, v39, v0  }
0x3d: {  	[tilespmem:$0x1FF30] =	vst v4;
	v4 =	vsel vm0, $0xFFFFFFFF, v44;
	vm0 =	vgt.f32 v41, v0  }
0x3e: {  	v46 =	vimm.s32 $0x0;
	v47 =	vld [tilespmem:$0x190];
	v0 =	vsel vm0, v41, v0  }
0x3f: {  	[tilespmem:$0x1FF40] =	vst v4;
	v4 =	vsel vm0, $0xFFFFFFFF, v46;
	vm0 =	vgt.f32 v43, v0  }
0x40: {  	v48 =	vimm.s32 $0x0;
	v49 =	vld [tilespmem:$0x1A0];
	v0 =	vsel vm0, v43, v0  }
0x41: {  	[tilespmem:$0x1FF50] =	vst v4;
	v4 =	vsel vm0, $0xFFFFFFFF, v48;
	vm0 =	vgt.f32 v45, v0  }
0x42: {  	v50 =	vimm.s32 $0x0;
	v51 =	vld [tilespmem:$0x1B0];
	v0 =	vsel vm0, v45, v0  }
0x43: {  	[tilespmem:$0x1FF60] =	vst v4;
	v4 =	vsel vm0, $0xFFFFFFFF, v50;
	vm0 =	vgt.f32 v47, v0  }
0x44: {  	v52 =	vimm.s32 $0x0;
	v53 =	vld [tilespmem:$0x1C0];
	v0 =	vsel vm0, v47, v0  }
0x45: {  	[tilespmem:$0x1FF70] =	vst v4;
	v4 =	vsel vm0, $0xFFFFFFFF, v52;
	vm0 =	vgt.f32 v49, v0  }
0x46: {  	v54 =	vimm.s32 $0x0;
	v55 =	vld [tilespmem:$0x1D0];
	v0 =	vsel vm0, v49, v0  }
0x47: {  	[tilespmem:$0x1FF80] =	vst v4;
	v4 =	vsel vm0, $0xFFFFFFFF, v54;
	vm0 =	vgt.f32 v51, v0  }
0x48: {  	v56 =	vimm.s32 $0x0;
	v57 =	vld [tilespmem:$0x1E0];
	v0 =	vsel vm0, v51, v0  }
0x49: {  	[tilespmem:$0x1FF90] =	vst v4;
	v4 =	vsel vm0, $0xFFFFFFFF, v56;
	vm0 =	vgt.f32 v53, v0  }
0x4a: {  	v58 =	vimm.s32 $0x0;
	v59 =	vld [tilespmem:$0x1F0];
	v0 =	vsel vm0, v53, v0  }
0x4b: {  	[tilespmem:$0x1FFA0] =	vst v4;
	v4 =	vsel vm0, $0xFFFFFFFF, v58;
	vm0 =	vgt.f32 v55, v0  }
0x4c: {  	v60 =	vimm.s32 $0x0;
	v61 =	vld [tilespmem:$0x200];
	v0 =	vsel vm0, v55, v0  }
0x4d: {  	[tilespmem:$0x1FFB0] =	vst v4;
	v4 =	vsel vm0, $0xFFFFFFFF, v60;
	vm0 =	vgt.f32 v57, v0  }
0x4e: {  	v62 =	vimm.s32 $0x0;
	v3 =	vsel vm0, v57, v0  }
0x4f: {  	v9 =	vimm.s32 $0x0;
	[tilespmem:$0x1FFC0] =	vst v4;
	v4 =	vsel vm0, $0xFFFFFFFF, v62;
	vm0 =	vgt.f32 v59, v3  }
0x50: {  	v0 =	vsel vm0, $0xFFFFFFFF, v9;
	v1 =	vsel vm0, v59, v3  }
0x51: {  	v7 =	vimm.s32 $0x0;
	[tilespmem:$0x1FFE0] =	vst v0;
	v0 =	vlaneseq.u32;
	vm0 =	vgt.f32 v61, v1  }
0x52: {  	v63 =	vld [tilespmem:$0x210];
	v5 =	vnsel vm2, $0x0, v0;
	v6 =	vor.u32 $0x10, v0;
	v7 =	vsel vm0, $0xFFFFFFFF, v7  }
0x53: {  	v10 =	vld [tilespmem:$0x220];
	v11 =	vor.u32 $0x20, v0;
	v1 =	vsel vm0, v61, v1;
	v13 =	vor.u32 $0x30, v0  }
0x54: {  	v12 =	vld [tilespmem:$0x230];
	v14 =	vor.u32 $0x40, v0;
	v16 =	vor.u32 $0x50, v0;
	v17 =	vor.u32 $0x60, v0  }
0x55: {  	v15 =	vld [tilespmem:$0x240];
	v19 =	vor.u32 $0x70, v0;
	v20 =	vor.u32 $0x80, v0;
	v22 =	vor.u32 $0x90, v0  }
0x56: {  	v18 =	vld [tilespmem:$0x250];
	v23 =	vor.u32 $0xA0, v0;
	v25 =	vor.u32 $0xB0, v0;
	v26 =	vor.u32 $0xC0, v0  }
0x57: {  	v21 =	vld [tilespmem:$0x260];
	v28 =	vor.u32 $0xD0, v0;
	v29 =	vor.u32 $0xE0, v0;
	v31 =	vor.u32 $0xF0, v0  }
0x58: {  	v24 =	vld [tilespmem:$0x270];
	v33 =	vor.u32 $0x100, v0;
	v36 =	vor.u32 $0x110, v0;
	v38 =	vor.u32 $0x120, v0  }
0x59: {  	v27 =	vld [tilespmem:$0x280];
	v41 =	vor.u32 $0x130, v0;
	v43 =	vor.u32 $0x140, v0;
	v5 =	vsel vm1, v6, v5  }
0x5a: {  	v30 =	vld [tilespmem:$0x290];
	v46 =	vor.u32 $0x150, v0;
	v5 =	vsel vm15, v11, v5;
	vm15 =	vgt.f32 v63, v1  }
0x5b: {  	v34 =	vld [tilespmem:$0x2A0];
	v48 =	vor.u32 $0x160, v0;
	v5 =	vsel vm3, v13, v5;
	v1 =	vsel vm15, v63, v1  }
0x5c: {  	v32 =	vld [tilespmem:$0x1FEE0];
	v51 =	vor.u32 $0x170, v0;
	v5 =	vsel vm8, v14, v5;
	vm8 =	vgt.f32 v10, v1  }
0x5d: {  	v35 =	vld [tilespmem:$0x1FEF0];
	v53 =	vor.u32 $0x180, v0;
	v5 =	vsel vm4, v16, v5;
	v1 =	vsel vm8, v10, v1  }
0x5e: {  	v40 =	vld [tilespmem:$0x1FF10];
	v56 =	vor.u32 $0x190, v0;
	v5 =	vsel vm6, v17, v5;
	vm0 =	vgt.f32 v12, v1  }
0x5f: {  	v37 =	vld [tilespmem:$0x1FF00];
	v58 =	vor.u32 $0x1A0, v0;
	v5 =	vsel vm5, v19, v5;
	v1 =	vsel vm0, v12, v1  }
0x60: {  	v42 =	vld [tilespmem:$0x1FF20];
	v61 =	vor.u32 $0x1B0, v0;
	v5 =	vsel vm9, v20, v5;
	vm1 =	vgt.f32 v15, v1  }
0x61: {  	v39 =	vld [tilespmem:$0x2B0];
	v11 =	vor.u32 $0x1D0, v0;
	v5 =	vsel vm7, v22, v5;
	v1 =	vsel vm1, v15, v1  }
0x62: {  	v44 =	vld [tilespmem:$0x2C0];
	v63 =	vor.u32 $0x1C0, v0;
	v5 =	vsel vm11, v23, v5;
	vm2 =	vgt.f32 v18, v1  }
0x63: {  	v45 =	vld [tilespmem:$0x1FF30];
	v13 =	vor.u32 $0x1E0, v0;
	v5 =	vsel vm10, v25, v5;
	v1 =	vsel vm2, v18, v1  }
0x64: {  	v50 =	vld [tilespmem:$0x1FF50];
	v16 =	vor.u32 $0x1F0, v0;
	v5 =	vsel vm13, v26, v5;
	vm3 =	vgt.f32 v21, v1  }
0x65: {  	v47 =	vld [tilespmem:$0x1FF40];
	vm9 =	vnez.u8 v40;
	v5 =	vsel vm12, v28, v5;
	v1 =	vsel vm3, v21, v1  }
0x66: {  	v52 =	vld [tilespmem:$0x1FF60];
	vm12 =	vnez.u8 v32;
	v5 =	vsel vm14, v29, v5;
	vm4 =	vgt.f32 v24, v1  }
0x67: {  	v49 =	vld [tilespmem:$0x2D0];
	vm13 =	vnez.u8 v35;
	v5 =	vsel vm12, v31, v5;
	v1 =	vsel vm4, v24, v1  }
0x68: {  	v54 =	vld [tilespmem:$0x2E0];
	vm14 =	vnez.u8 v37;
	v5 =	vsel vm13, v33, v5;
	vm5 =	vgt.f32 v27, v1  }
0x69: {  	v55 =	vld [tilespmem:$0x1FF70];
	vm11 =	vnez.u8 v45;
	v5 =	vsel vm14, v36, v5;
	v1 =	vsel vm5, v27, v1  }
0x6a: {  	v60 =	vld [tilespmem:$0x1FF90];
	vm10 =	vnez.u8 v42;
	v5 =	vsel vm9, v38, v5;
	vm6 =	vgt.f32 v30, v1  }
0x6b: {  	v57 =	vld [tilespmem:$0x1FF80];
	v18 =	vor.u32 $0x200, v0;
	v5 =	vsel vm10, v41, v5;
	v1 =	vsel vm6, v30, v1  }
0x6c: {  	v62 =	vld [tilespmem:$0x1FFA0];
	vm12 =	vnez.u8 v47;
	v5 =	vsel vm11, v43, v5;
	vm7 =	vgt.f32 v34, v1  }
0x6d: {  	v59 =	vld [tilespmem:$0x2F0];
	vm13 =	vnez.u8 v50;
	v5 =	vsel vm12, v46, v5;
	v1 =	vsel vm7, v34, v1  }
0x6e: {  	v10 =	vld [tilespmem:$0x1FFB0];
	vm14 =	vnez.u8 v52;
	v5 =	vsel vm13, v48, v5;
	vm9 =	vgt.f32 v39, v1  }
0x6f: {  	[tilespmem:$0x1FFD0] =	vst v4;
	v12 =	vld [tilespmem:$0x1FFC0];
	vm12 =	vnez.u8 v55;
	v5 =	vsel vm14, v51, v5;
	v1 =	vsel vm9, v39, v1  }
0x70: {  	v15 =	vld [tilespmem:$0x1FFD0];
	vm13 =	vnez.u8 v57;
	v5 =	vsel vm12, v53, v5;
	vm10 =	vgt.f32 v44, v1  }
0x71: {  	[tilespmem:$0x1FFF0] =	vst v7;
	v17 =	vld [tilespmem:$0x1FFE0];
	vm14 =	vnez.u8 v60;
	v5 =	vsel vm13, v56, v5;
	v1 =	vsel vm10, v44, v1  }
0x72: {  	v20 =	vld [tilespmem:$0x1FFF0];
	vm12 =	vnez.u8 v62;
	v5 =	vsel vm14, v58, v5;
	vm11 =	vgt.f32 v49, v1  }
0x73: {  	v9 =	vld [tilespmem:$0x300];
	v5 =	vsel vm12, v61, v5;
	v1 =	vsel vm11, v49, v1;
	vm12 =	vnez.u8 v10  }
0x74: {  	vm13 =	vnez.u8 v12;
	v5 =	vsel vm12, v63, v5;
	vm12 =	vgt.f32 v54, v1  }
0x75: {  	v14 =	vld [tilespmem:$0x310];
	v5 =	vsel vm13, v11, v5;
	v1 =	vsel vm12, v54, v1;
	vm13 =	vnez.u8 v15  }
0x76: {  	vm14 =	vnez.u8 v17;
	v5 =	vsel vm13, v13, v5;
	vm13 =	vgt.f32 v59, v1  }
0x77: {  	v19 =	vld [tilespmem:$0x320];
	v5 =	vsel vm14, v16, v5;
	v1 =	vsel vm13, v59, v1;
	vm14 =	vnez.u8 v20  }
0x78: {  	v21 =	vor.u32 $0x210, v0;
	v5 =	vsel vm14, v18, v5;
	vm14 =	vgt.f32 v9, v1  }
0x79: {  	v22 =	vor.u32 $0x220, v0;
	v23 =	vld [tilespmem:$0x330];
	v5 =	vsel vm15, v21, v5;
	v1 =	vsel vm14, v9, v1  }
0x7a: {  	v24 =	vor.u32 $0x230, v0;
	v5 =	vsel vm8, v22, v5;
	vm8 =	vgt.f32 v14, v1  }
0x7b: {  	v25 =	vor.u32 $0x240, v0;
	v26 =	vld [tilespmem:$0x340];
	v5 =	vsel vm0, v24, v5;
	v1 =	vsel vm8, v14, v1  }
0x7c: {  	v27 =	vor.u32 $0x250, v0;
	v5 =	vsel vm1, v25, v5;
	vm0 =	vgt.f32 v19, v1  }
0x7d: {  	v28 =	vor.u32 $0x260, v0;
	v29 =	vld [tilespmem:$0x350];
	v5 =	vsel vm2, v27, v5;
	v1 =	vsel vm0, v19, v1  }
0x7e: {  	v30 =	vor.u32 $0x270, v0;
	v5 =	vsel vm3, v28, v5;
	vm1 =	vgt.f32 v23, v1  }
0x7f: {  	v32 =	vld [tilespmem:$0x360];
	v31 =	vor.u32 $0x280, v0;
	v5 =	vsel vm4, v30, v5;
	v1 =	vsel vm1, v23, v1  }
0x80: {  	v33 =	vor.u32 $0x290, v0;
	v5 =	vsel vm5, v31, v5;
	vm2 =	vgt.f32 v26, v1  }
0x81: {  	v35 =	vld [tilespmem:$0x370];
	v34 =	vor.u32 $0x2A0, v0;
	v5 =	vsel vm6, v33, v5;
	v1 =	vsel vm2, v26, v1  }
0x82: {  	v36 =	vor.u32 $0x2B0, v0;
	v5 =	vsel vm7, v34, v5;
	vm3 =	vgt.f32 v29, v1  }
0x83: {  	v37 =	vor.u32 $0x2C0, v0;
	v38 =	vld [tilespmem:$0x380];
	v5 =	vsel vm9, v36, v5;
	v1 =	vsel vm3, v29, v1  }
0x84: {  	v39 =	vor.u32 $0x2D0, v0;
	v5 =	vsel vm10, v37, v5;
	vm4 =	vgt.f32 v32, v1  }
0x85: {  	v40 =	vor.u32 $0x2E0, v0;
	v41 =	vld [tilespmem:$0x390];
	v5 =	vsel vm11, v39, v5;
	v1 =	vsel vm4, v32, v1  }
0x86: {  	v42 =	vor.u32 $0x2F0, v0;
	v5 =	vsel vm12, v40, v5;
	vm12 =	vgt.f32 v35, v1  }
0x87: {  	v43 =	vor.u32 $0x300, v0;
	v44 =	vld [tilespmem:$0x3A0];
	v5 =	vsel vm13, v42, v5;
	v1 =	vsel vm12, v35, v1  }
0x88: {  	v45 =	vor.u32 $0x310, v0;
	v5 =	vsel vm14, v43, v5;
	vm15 =	vgt.f32 v38, v1  }
0x89: {  	v47 =	vld [tilespmem:$0x3B0];
	v46 =	vor.u32 $0x320, v0;
	v5 =	vsel vm8, v45, v5;
	v1 =	vsel vm15, v38, v1  }
0x8a: {  	v48 =	vor.u32 $0x330, v0;
	v5 =	vsel vm0, v46, v5;
	vm9 =	vgt.f32 v41, v1  }
0x8b: {  	v50 =	vld [tilespmem:$0x3C0];
	v49 =	vor.u32 $0x340, v0;
	v5 =	vsel vm1, v48, v5;
	v1 =	vsel vm9, v41, v1  }
0x8c: {  	v51 =	vor.u32 $0x350, v0;
	v5 =	vsel vm2, v49, v5;
	vm10 =	vgt.f32 v44, v1  }
0x8d: {  	v52 =	vor.u32 $0x360, v0;
	v53 =	vld [tilespmem:$0x3D0];
	v5 =	vsel vm3, v51, v5;
	v1 =	vsel vm10, v44, v1  }
0x8e: {  	v54 =	vor.u32 $0x370, v0;
	v5 =	vsel vm4, v52, v5;
	vm11 =	vgt.f32 v47, v1  }
0x8f: {  	v55 =	vor.u32 $0x380, v0;
	v56 =	vld [tilespmem:$0x3E0];
	v5 =	vsel vm12, v54, v5;
	v1 =	vsel vm11, v47, v1  }
0x90: {  	v57 =	vor.u32 $0x390, v0;
	v5 =	vsel vm15, v55, v5;
	vm12 =	vgt.f32 v50, v1  }
0x91: {  	v58 =	vor.u32 $0x3A0, v0;
	v59 =	vld [tilespmem:$0x3F0];
	v5 =	vsel vm9, v57, v5;
	v1 =	vsel vm12, v50, v1  }
0x92: {  	v60 =	vor.u32 $0x3B0, v0;
	v5 =	vsel vm10, v58, v5;
	vm13 =	vgt.f32 v53, v1  }
0x93: {  	v61 =	vor.u32 $0x3C0, v0;
	v5 =	vsel vm11, v60, v5;
	v1 =	vsel vm13, v53, v1  }
0x94: {  	v62 =	vor.u32 $0x3D0, v0;
	v3 =	vsel vm12, v61, v5;
	vm14 =	vgt.f32 v56, v1  }
0x95: {  	v63 =	vor.u32 $0x3E0, v0;
	v3 =	vsel vm13, v62, v3;
	v1 =	vsel vm14, v56, v1  }
0x96: {  	v0 =	vor.u32 $0x3F0, v0;
	v2 =	vsel vm14, v63, v3;
	vm15 =	vgt.f32 v59, v1  }
0x97: {  	v1 =	vsel vm15, v59, v1;
	v0 =	vsel vm15, v0, v2  }
0x98: {  	(xrf1) =	vsort.dscd.msk.f32 $0xffff, v1, v0;
	_ =	sdelay $0xd  }
0x99: {  	_, v0, _ =	vpop (xrf1)  }
0x9a: {  	s25 =	sadd.s32 $0x1600, s3;
	s6 =	simm.s32 $0x10;
	[tilespmem:$0x400] =	vst v0  }
0x9b: {  	s7 =	simm.s32 $0x400;
	s8 =	simm.s32 $0x480;
	s26 =	simm.s32 $0x1;
	[tilespmem:$0xC80] =	vst v0  }
0x9c: {  	[tilespmem:s8], [sflag:$0x1] =	stream.indirect.gather [hbm4b:s25+s6], $0x80, s7, s6, $0xb8;
	[tilespmem:$0xD00] =	vst v63  }
0x9d: {  	_ =	swait.ge [sflag:s26], $0x800  }
0x9e: {  	s28 =	sadd.s32 $0x5600, s3;
	s29 =	sshll.u32 s1, $0x4;
	[sflag:s26] =	ssyncset.done $0x0  }
0x9f: {  	s6 =	sadd.s32 s28, s29;
	[sflag:s26] =	ssyncadd.s32 $0xFFFFF800  }
0xa0: {  	[hbm4b:s6+s2] =	stream.linear.scatter [tilespmem:s8], [sflag:$0x2], $0x80, $0x38;
	[tilespmem:$0xD00] =	vst v63  }
0xa1: {  	_ =	swait.ge [sflag:s24], $0x80  }
0xa2: {  	s30 =	sadd.s32 $0x5800, s3;
	[sflag:s24] =	ssyncset.done $0x0  }
0xa3: {  	s31 =	simm.s32 $0xC80;
	s3 =	sadd.s32 s30, s29;
	[sflag:s24] =	ssyncadd.s32 $0xFFFFFF80  }
0xa4: {  	[hbm4b:s3+s2] =	stream.linear.scatter [tilespmem:s31], [sflag:$0x2], $0x10, $0x38;
	[tilespmem:$0xD00] =	vst v63  }
0xa5: {  	_ =	swait.ge [sflag:s24], $0x10  }
0xa6: {  	[sflag:s24] =	ssyncset.done $0x0  }
0xa7: {  	[sflag:s24] =	ssyncadd.s32 $0xFFFFFFF0  }
.LBB2_2:
0xa8: {  	_ =	sfence.sel $0x180000  }
0xa9: {  	[bflag:$0x0] =	sbarrier.arrive $0xFFFF  }
0xaa: {  	p0 =	sne.s32 s1, $0x0;
	_ =	strace $0x90000047  }
0xab: {  	s0 =	sadd.s32 @!p0 $0x100000, s0;
	[bflag:$0x2] =	sbarrier.arrive $0xFFFF  }
0xac: {  	[sflag:s0] =	ssyncadd.tile.s32 @!p0 $0x1;
	_ =	shalt  }
.Lfunc_end2:
_tile_overlayer_lowered:
.L_overlay_start_2:
0xad: {  	(tag) =	ssettag $0x2  }
0xae: {  	s0 =	rddreg [dreg:$0x0];
	s2 =	stileid.u32  }
0xaf: {  	s1 =	rddreg [dreg:$0x1];
	p0 =	sne.s32 s2, $0x0  }
0xb0: {  	s3 =	rddreg [dreg:$0x2];
	[bflag:$0x3] =	sbarrier.arrive $0xFFFF;
	s2 =	simm.s32 @!p0 $0x1C02  }
0xb1: {  	[timem:s3], [sflag:s2] =	dma.local @!p0 [hbm:s0], s1  }
0xb2: {  	s0 =	simm.s32 @!p0 $0x2  }
0xb3: {  	_ =	swait.ge @!p0 [sflag:s0], s1  }
0xb4: {  	s1 =	ssub.s32 @!p0 $0x0, s1;
	[sflag:s0] =	ssyncset.done @!p0 $0x0  }
0xb5: {  	[sflag:s0] =	ssyncadd.s32 @!p0 s1  }
0xb6: {  	[bflag:$0x3] =	sbarrier.arrive $0xFFFF  }
0xb7: {  	_ =	shalt  }

</sc_bundles>
